<compile_context>
chip_gen: v7x
topology: tpu7x:2x2x1
jax: 0.10.2.dev20260603
libtpu: 0.0.44.dev20260713+nightly
codegen_flags: <defaults>
</compile_context>

<pallas_src>
import functools

import jax
import jax.numpy as jnp
from jax import lax
from jax.experimental import pallas as pl
from jax.experimental.pallas import tpu as pltpu
from jax.experimental.pallas import tpu_sc as plsc

B = 64
N = 32768
NP = N // 4
NCHUNK = N // 16
NB = 1024
LANES = 16
BIG = 0x3FFFFFFF
CPAD = 128
IMAX = 0x7FFFFFFF


def _sc_body(nb_hbm, mp_hbm, out_hbm,
             keys_v, out_v, mp_v, hist_v, cbuf_v, call_v, counts_sh):
    c = lax.axis_index("c")
    s = lax.axis_index("s")
    w = c * 16 + s

    iota = lax.iota(jnp.int32, LANES)
    iota_div4 = iota >> 2
    shifts1 = iota & 3
    ones = jnp.full((LANES,), 1, jnp.int32)
    zeros = jnp.zeros((LANES,), jnp.int32)

    def count_row(j, cvec):
        row = s * 4 + j
        pltpu.sync_copy(mp_hbm.at[row], mp_v)

        @plsc.parallel_loop(0, NP // LANES, unroll=8, carry=zeros)
        def acc(i, a):
            x = mp_v[pl.ds(i * LANES, LANES)]
            y = (x & 5) + ((x >> 1) & 5)
            return a + ((y & 3) + ((y >> 2) & 3))

        cnt = jnp.sum(acc)
        return jnp.where(iota == j, cnt, cvec)

    cvec = lax.fori_loop(0, 4, count_row, jnp.full((LANES,), BIG, jnp.int32))
    for j in range(0, CPAD, LANES):
        cbuf_v[pl.ds(j, LANES)] = cvec
    pltpu.sync_copy(cbuf_v, counts_sh.at[s])
    plsc.subcore_barrier()
    pltpu.sync_copy(counts_sh, call_v)

    macc = call_v[0, pl.ds(0, LANES)]
    for j in range(1, 16):
        macc = jnp.minimum(macc, call_v[j, pl.ds(0, LANES)])
    M = jnp.min(macc)
    Mc = jnp.maximum(M, 1)

    for j in range(0, NB, LANES):
        hist_v[pl.ds(j, LANES)] = zeros

    def rank_walk(C, M_rem):
        thresh = C - M_rem

        def sbody(i, carry):
            run, cv = carry
            h = hist_v[pl.ds(i * LANES, LANES)]
            pc = plsc.cumsum(h) + run
            cv = cv + jnp.where(pc <= thresh, 1, 0)
            return jnp.max(pc), cv

        _, cv = lax.fori_loop(0, NB // LANES, sbody, (jnp.int32(0), zeros))
        t = jnp.sum(cv)
        C_next = jnp.max(plsc.load_gather(hist_v, [iota * 0 + t]))

        def abody(i, acc):
            sl = pl.ds(i * LANES, LANES)
            h = hist_v[sl]
            hist_v[sl] = zeros
            return acc + jnp.where(iota + i * LANES > t, h, 0)

        S_t1 = jnp.sum(lax.fori_loop(0, NB // LANES, abody, zeros))
        M_next = jnp.maximum(1, M_rem - S_t1)
        return t, C_next, M_next

    def hist_level(valid_of, id_of):
        @plsc.parallel_loop(0, NCHUNK, unroll=16)
        def _(i):
            k = keys_v[pl.ds(i * LANES, LANES)]
            plsc.addupdate_scatter(hist_v, [id_of(k)], ones, mask=valid_of(k))

    def do_row(j, _):
        row = w * 2 + j
        pltpu.sync_copy(nb_hbm.at[row], keys_v)
        pltpu.sync_copy(mp_hbm.at[row], mp_v)
        crow = call_v[row >> 2, pl.ds(0, LANES)]
        C0 = jnp.sum(jnp.where(iota == (row & 3), crow, 0))

        @plsc.parallel_loop(0, NCHUNK, unroll=16)
        def _(i):
            nb = keys_v[pl.ds(i * LANES, LANES)]
            g = plsc.load_gather(mp_v, [iota_div4 + i * 4])
            valid = ((g >> shifts1) & 1) == 1
            k = jnp.where(valid, nb, -1)
            keys_v[pl.ds(i * LANES, LANES)] = k
            plsc.addupdate_scatter(hist_v, [k >> 20], ones, mask=valid)

        t0, C1, M1 = rank_walk(C0, Mc)
        hist_level(lambda k: (k >> 20) == t0, lambda k: (k >> 10) & (NB - 1))
        t1, C2, M2 = rank_walk(C1, M1)
        pref1 = t0 * NB + t1
        hist_level(lambda k: (k >> 10) == pref1, lambda k: k & (NB - 1))
        t2, C3, M3 = rank_walk(C2, M2)
        T = pref1 * NB + t2
        T_eff = jnp.where(M == 0, IMAX, T)
        no_tie = jnp.logical_or(M3 >= C3, M == 0)

        @pl.when(no_tie)
        def _fast():
            @plsc.parallel_loop(0, NCHUNK, unroll=16)
            def _(i):
                k = keys_v[pl.ds(i * LANES, LANES)]
                out_v[pl.ds(i * LANES, LANES)] = jnp.where(k >= T_eff, 1, 0)

        @pl.when(jnp.logical_not(no_tie))
        def _tie():
            def tbody(i, run):
                k = keys_v[pl.ds(i * LANES, LANES)]
                eq = k == T
                pe = plsc.cumsum(jnp.where(eq, 1, 0)) + run
                keep = (k > T) | (eq & (pe <= M3))
                out_v[pl.ds(i * LANES, LANES)] = jnp.where(keep, 1, 0)
                return jnp.max(pe)

            lax.fori_loop(0, NCHUNK, tbody, jnp.int32(0))

        pltpu.sync_copy(out_v, out_hbm.at[row])
        return 0

    lax.fori_loop(0, 2, do_row, 0)


@functools.partial(
    pl.kernel,
    out_type=jax.ShapeDtypeStruct((B, N), jnp.int32),
    mesh=plsc.VectorSubcoreMesh(core_axis_name="c", subcore_axis_name="s",
                                num_cores=2, num_subcores=16),
    compiler_params=pltpu.CompilerParams(needs_layout_passes=False),
    scratch_types=[
        pltpu.VMEM((N,), jnp.int32),
        pltpu.VMEM((N,), jnp.int32),
        pltpu.VMEM((NP,), jnp.int32),
        pltpu.VMEM((NB,), jnp.int32),
        pltpu.VMEM((CPAD,), jnp.int32),
        pltpu.VMEM((16, CPAD), jnp.int32),
        pltpu.VMEM_SHARED((16, CPAD), jnp.int32),
    ],
)
def _rect_sc(nb_hbm, mp_hbm, out_hbm,
             keys_v, out_v, mp_v, hist_v, cbuf_v, call_v, counts_sh):
    _sc_body(nb_hbm, mp_hbm, out_hbm,
             keys_v, out_v, mp_v, hist_v, cbuf_v, call_v, counts_sh)


def kernel(masks, noise):
    shape = masks.shape
    m = masks.reshape(B, N)
    nb = lax.bitcast_convert_type(noise.reshape(B, N), jnp.int32)
    weights = jnp.array([1.0, 2.0, 4.0, 8.0], jnp.float32)
    mp = jnp.dot(m.reshape(B, NP, 4).astype(jnp.float32),
                 weights).astype(jnp.int32)
    out = _rect_sc(nb, mp)
    return out.astype(jnp.bool_).reshape(shape)

# --- scband reference (transcript-rebuilt; emitter-appended) ---
"""Pipeline reference for scband-rectangularize-masks-75411035783533 (READ-ONLY COPY).

The authoritative reference and input builder live on the scoring server;
editing this copy changes nothing except your own understanding.
"""

import jax, jax.numpy as jnp
import numpy as np


def setup_inputs(seed: int = 0) -> dict:
    key = jax.random.key(seed)
    k1, k2 = jax.random.split(key)
    B, N = 64, 32768
    masks = jax.random.randint(k1, (B, N), 0, 2).astype(bool)
    noise = jax.random.uniform(k2, (B, N), dtype=jnp.float32)
    return {"masks": masks, "noise": noise}


def reference(masks, noise):
    # RectangularizeMasks with truncation_mode='min':
    # every row is truncated to have exactly M = min_b(sum(masks[b])) ones,
    # where the ones to KEEP are chosen at random (torch used randperm over the
    # set bits; here we use per-position random scores `noise` and keep the
    # M highest-scoring set bits per row -- an equivalent uniformly-random
    # selection, expressed as a top-k / rank-threshold masking op).
    shape = masks.shape
    m = masks.reshape(shape[0], -1)
    B, N = m.shape
    num_masked = m.astype(jnp.float32).sum(-1)
    M = jnp.amin(num_masked).astype(jnp.int32)  # truncation target (mode='min')
    neg_inf = jnp.finfo(jnp.float32).min
    scores = jnp.where(m, noise.reshape(B, N), neg_inf)
    # rank of each position when sorted by descending score
    order = jnp.argsort(-scores, axis=-1)
    ranks = jnp.argsort(order, axis=-1)
    # with mode='min', num_changes >= 0 for every row, so we only ever turn
    # ones into zeros: keep the M best-ranked set bits.
    new_m = (ranks < M) & m
    return new_m.reshape(shape)

if __name__ == "__main__":
    import jax
    _d = setup_inputs()
    print(jax.jit(kernel)(*tuple(_d.values())))

</pallas_src>

<mosaic_0001>
#map = affine_map<(d0, d1) -> (0, 0)>
module attributes {stable_mosaic.version = 14 : i64} {
  func.func @_rect_sc(%arg0: i32, %arg1: i32, %arg2: memref<64x32768xi32, #tpu.memory_space<hbm>>, %arg3: memref<64x8192xi32, #tpu.memory_space<hbm>>, %arg4: memref<64x32768xi32, #tpu.memory_space<hbm>>, %arg5: memref<32768xi32, #tpu.memory_space<vmem>>, %arg6: memref<32768xi32, #tpu.memory_space<vmem>>, %arg7: memref<8192xi32, #tpu.memory_space<vmem>>, %arg8: memref<1024xi32, #tpu.memory_space<vmem>>, %arg9: memref<128xi32, #tpu.memory_space<vmem>>, %arg10: memref<16x128xi32, #tpu.memory_space<vmem>>, %arg11: memref<16x128xi32, #tpu.memory_space<vmem_shared>>) attributes {dimension_semantics = [#tpu.dimension_semantics<core_parallel>, #tpu.dimension_semantics<subcore_parallel>], iteration_bounds = array<i64: 2, 16>, scalar_prefetch = 0 : i64, scratch_operands = 7 : i64, tpu.core_type = #tpu.core_type<sc_vector_subcore>, window_params = [{transform_indices = #map}, {transform_indices = #map}, {transform_indices = #map}]} {
    %mul3A = arith.constant 16 : i32
    %mul3A_0 = arith.muli %arg0, %mul3A : i32
    %add3A = arith.addi %mul3A_0, %arg1 : i32
    %iota3A = tpu.iota {dimensions = array<i32: 0>} : vector<16xi32>
    %shift_right_arithmetic3A = arith.constant 2 : i32
    %shift_right_arithmetic3A_1 = vector.broadcast %shift_right_arithmetic3A : i32 to vector<16xi32>
    %shift_right_arithmetic3A_2 = arith.shrsi %iota3A, %shift_right_arithmetic3A_1 : vector<16xi32>
    %and3A = arith.constant 3 : i32
    %and3A_3 = vector.broadcast %and3A : i32 to vector<16xi32>
    %and3A_4 = arith.andi %iota3A, %and3A_3 : vector<16xi32>
    %broadcast_in_dim3A = arith.constant 1 : i32
    %broadcast_in_dim3A_5 = vector.broadcast %broadcast_in_dim3A : i32 to vector<16xi32>
    %broadcast_in_dim3A_6 = arith.constant 0 : i32
    %broadcast_in_dim3A_7 = vector.broadcast %broadcast_in_dim3A_6 : i32 to vector<16xi32>
    %broadcast_in_dim3A_8 = arith.constant 1073741823 : i32
    %broadcast_in_dim3A_9 = vector.broadcast %broadcast_in_dim3A_8 : i32 to vector<16xi32>
    %scan3A = arith.constant 0 : i32
    %scan3A_10 = arith.constant 4 : i32
    %scan3A_11 = arith.addi %scan3A, %scan3A_10 : i32
    %scan3A_12 = arith.constant 1 : i32
    %scan3A_13 = scf.for %scan3A_250 = %scan3A to %scan3A_11 step %scan3A_12 iter_args(%scan3A_251 = %broadcast_in_dim3A_9) -> (vector<16xi32>)  : i32 {
      %mul3A_252 = arith.constant 4 : i32
      %mul3A_253 = arith.muli %arg1, %mul3A_252 : i32
      %add3A_254 = arith.addi %mul3A_253, %scan3A_250 : i32
      "tpu.region"() ({
        %run_scoped3A = tpu.sem_alloc : memref<!tpu.dma_semaphore, #tpu.memory_space<semaphore_mem>>
        %dma_start3A = arith.constant 0 : i32
        %dma_start3A_263 = tpu.memref_slice %arg3[%add3A_254, %dma_start3A] : memref<64x8192xi32, #tpu.memory_space<hbm>> -> memref<1x8192xi32, #tpu.memory_space<hbm>>
        %dma_start3A_264 = tpu.memref_squeeze %dma_start3A_263 : memref<1x8192xi32, #tpu.memory_space<hbm>> -> memref<8192xi32, #tpu.memory_space<hbm>>
        %dma_start3A_265 = arith.constant 0 : i32
        %dma_start3A_266 = tpu.memref_slice %arg3[%add3A_254, %dma_start3A_265] : memref<64x8192xi32, #tpu.memory_space<hbm>> -> memref<1x8192xi32, #tpu.memory_space<hbm>>
        %dma_start3A_267 = tpu.memref_squeeze %dma_start3A_266 : memref<1x8192xi32, #tpu.memory_space<hbm>> -> memref<8192xi32, #tpu.memory_space<hbm>>
        tpu.enqueue_dma source(%dma_start3A_267 : memref<8192xi32, #tpu.memory_space<hbm>>) target(%arg7 : memref<8192xi32, #tpu.memory_space<vmem>>) target_semaphore(%run_scoped3A : memref<!tpu.dma_semaphore, #tpu.memory_space<semaphore_mem>>)
        %dma_wait3A = arith.constant 0 : i32
        %dma_wait3A_268 = tpu.memref_slice %arg3[%add3A_254, %dma_wait3A] : memref<64x8192xi32, #tpu.memory_space<hbm>> -> memref<1x8192xi32, #tpu.memory_space<hbm>>
        %dma_wait3A_269 = tpu.memref_squeeze %dma_wait3A_268 : memref<1x8192xi32, #tpu.memory_space<hbm>> -> memref<8192xi32, #tpu.memory_space<hbm>>
        %dma_wait3A_270 = arith.constant 0 : i32
        %dma_wait3A_271 = tpu.memref_slice %arg3[%add3A_254, %dma_wait3A_270] : memref<64x8192xi32, #tpu.memory_space<hbm>> -> memref<1x8192xi32, #tpu.memory_space<hbm>>
        %dma_wait3A_272 = tpu.memref_squeeze %dma_wait3A_271 : memref<1x8192xi32, #tpu.memory_space<hbm>> -> memref<8192xi32, #tpu.memory_space<hbm>>
        tpu.wait_dma2 semaphore(%run_scoped3A : memref<!tpu.dma_semaphore, #tpu.memory_space<semaphore_mem>>) src(%dma_wait3A_272 : memref<8192xi32, #tpu.memory_space<hbm>>) dst(%arg7 : memref<8192xi32, #tpu.memory_space<vmem>>)
        tpu.yield
      }) : () -> ()
      %parallel_loop3A = arith.constant 0 : i32
      %parallel_loop3A_255 = arith.constant 512 : i32
      %parallel_loop3A_256 = arith.constant 1 : i32
      %parallel_loop3A_257 = scf.for %parallel_loop3A_263 = %parallel_loop3A to %parallel_loop3A_255 step %parallel_loop3A_256 iter_args(%parallel_loop3A_264 = %broadcast_in_dim3A_7) -> (vector<16xi32>)  : i32 {
        %parallel_loop3A_265 = arith.constant 16 : i32
        %parallel_loop3A_266 = arith.muli %parallel_loop3A_263, %parallel_loop3A_265 : i32
        %parallel_loop3A_267 = arith.index_cast %parallel_loop3A_266 : i32 to index
        %parallel_loop3A_268 = tpu.vector_load %arg7[%parallel_loop3A_267] {strides = array<i32>} : memref<8192xi32, #tpu.memory_space<vmem>>, vector<16xi32>,
        %parallel_loop3A_269 = arith.constant 5 : i32
        %parallel_loop3A_270 = vector.broadcast %parallel_loop3A_269 : i32 to vector<16xi32>
        %parallel_loop3A_271 = arith.andi %parallel_loop3A_268, %parallel_loop3A_270 : vector<16xi32>
        %parallel_loop3A_272 = arith.constant 1 : i32
        %parallel_loop3A_273 = vector.broadcast %parallel_loop3A_272 : i32 to vector<16xi32>
        %parallel_loop3A_274 = arith.shrsi %parallel_loop3A_268, %parallel_loop3A_273 : vector<16xi32>
        %parallel_loop3A_275 = arith.constant 5 : i32
        %parallel_loop3A_276 = vector.broadcast %parallel_loop3A_275 : i32 to vector<16xi32>
        %parallel_loop3A_277 = arith.andi %parallel_loop3A_274, %parallel_loop3A_276 : vector<16xi32>
        %parallel_loop3A_278 = arith.addi %parallel_loop3A_271, %parallel_loop3A_277 : vector<16xi32>
        %parallel_loop3A_279 = arith.constant 3 : i32
        %parallel_loop3A_280 = vector.broadcast %parallel_loop3A_279 : i32 to vector<16xi32>
        %parallel_loop3A_281 = arith.andi %parallel_loop3A_278, %parallel_loop3A_280 : vector<16xi32>
        %parallel_loop3A_282 = arith.constant 2 : i32
        %parallel_loop3A_283 = vector.broadcast %parallel_loop3A_282 : i32 to vector<16xi32>
        %parallel_loop3A_284 = arith.shrsi %parallel_loop3A_278, %parallel_loop3A_283 : vector<16xi32>
        %parallel_loop3A_285 = arith.constant 3 : i32
        %parallel_loop3A_286 = vector.broadcast %parallel_loop3A_285 : i32 to vector<16xi32>
        %parallel_loop3A_287 = arith.andi %parallel_loop3A_284, %parallel_loop3A_286 : vector<16xi32>
        %parallel_loop3A_288 = arith.addi %parallel_loop3A_281, %parallel_loop3A_287 : vector<16xi32>
        %parallel_loop3A_289 = arith.addi %parallel_loop3A_264, %parallel_loop3A_288 : vector<16xi32>
        scf.yield %parallel_loop3A_289 : vector<16xi32>
      } {sc.loop_unroll_factor = 8 : i64, sc.parallel_access}
      %reduce_sum3A = arith.constant true
      %reduce_sum3A_258 = vector.broadcast %reduce_sum3A : i1 to vector<16xi1>
      %reduce_sum3A_259 = tpu.scan <sum>, %parallel_loop3A_257 masked %reduce_sum3A_258 : vector<16xi32>, vector<16xi1> -> vector<16xi32>
      %reduce_sum3A_260 = vector.extract %reduce_sum3A_259[15] : i32 from vector<16xi32>
      %eq3A = vector.broadcast %scan3A_250 : i32 to vector<16xi32>
      %eq3A_261 = arith.cmpi eq, %iota3A, %eq3A : vector<16xi32>
      %broadcast_in_dim3A_262 = vector.broadcast %reduce_sum3A_260 : i32 to vector<16xi32>
      %select_n3A = arith.select %eq3A_261, %broadcast_in_dim3A_262, %scan3A_251 : vector<16xi1>, vector<16xi32>
      scf.yield %select_n3A : vector<16xi32>
    }
    %scan3A_14 = arith.constant 4 : i32
    %swap3A = arith.constant 0 : index
    %swap3A_15 = tpu.vector_load %arg9[%swap3A] {strides = array<i32>} : memref<128xi32, #tpu.memory_space<vmem>>, vector<16xi32>,
    tpu.vector_store %arg9[%swap3A], %scan3A_13 {strides = array<i32>} : memref<128xi32, #tpu.memory_space<vmem>>, vector<16xi32>,
    %swap3A_16 = arith.constant 16 : index
    %swap3A_17 = tpu.vector_load %arg9[%swap3A_16] {strides = array<i32>} : memref<128xi32, #tpu.memory_space<vmem>>, vector<16xi32>,
    tpu.vector_store %arg9[%swap3A_16], %scan3A_13 {strides = array<i32>} : memref<128xi32, #tpu.memory_space<vmem>>, vector<16xi32>,
    %swap3A_18 = arith.constant 32 : index
    %swap3A_19 = tpu.vector_load %arg9[%swap3A_18] {strides = array<i32>} : memref<128xi32, #tpu.memory_space<vmem>>, vector<16xi32>,
    tpu.vector_store %arg9[%swap3A_18], %scan3A_13 {strides = array<i32>} : memref<128xi32, #tpu.memory_space<vmem>>, vector<16xi32>,
    %swap3A_20 = arith.constant 48 : index
    %swap3A_21 = tpu.vector_load %arg9[%swap3A_20] {strides = array<i32>} : memref<128xi32, #tpu.memory_space<vmem>>, vector<16xi32>,
    tpu.vector_store %arg9[%swap3A_20], %scan3A_13 {strides = array<i32>} : memref<128xi32, #tpu.memory_space<vmem>>, vector<16xi32>,
    %swap3A_22 = arith.constant 64 : index
    %swap3A_23 = tpu.vector_load %arg9[%swap3A_22] {strides = array<i32>} : memref<128xi32, #tpu.memory_space<vmem>>, vector<16xi32>,
    tpu.vector_store %arg9[%swap3A_22], %scan3A_13 {strides = array<i32>} : memref<128xi32, #tpu.memory_space<vmem>>, vector<16xi32>,
    %swap3A_24 = arith.constant 80 : index
    %swap3A_25 = tpu.vector_load %arg9[%swap3A_24] {strides = array<i32>} : memref<128xi32, #tpu.memory_space<vmem>>, vector<16xi32>,
    tpu.vector_store %arg9[%swap3A_24], %scan3A_13 {strides = array<i32>} : memref<128xi32, #tpu.memory_space<vmem>>, vector<16xi32>,
    %swap3A_26 = arith.constant 96 : index
    %swap3A_27 = tpu.vector_load %arg9[%swap3A_26] {strides = array<i32>} : memref<128xi32, #tpu.memory_space<vmem>>, vector<16xi32>,
    tpu.vector_store %arg9[%swap3A_26], %scan3A_13 {strides = array<i32>} : memref<128xi32, #tpu.memory_space<vmem>>, vector<16xi32>,
    %swap3A_28 = arith.constant 112 : index
    %swap3A_29 = tpu.vector_load %arg9[%swap3A_28] {strides = array<i32>} : memref<128xi32, #tpu.memory_space<vmem>>, vector<16xi32>,
    tpu.vector_store %arg9[%swap3A_28], %scan3A_13 {strides = array<i32>} : memref<128xi32, #tpu.memory_space<vmem>>, vector<16xi32>,
    "tpu.region"() ({
      %run_scoped3A = tpu.sem_alloc : memref<!tpu.dma_semaphore, #tpu.memory_space<semaphore_mem>>
      %dma_start3A = arith.constant 0 : i32
      %dma_start3A_250 = tpu.memref_slice %arg11[%arg1, %dma_start3A] : memref<16x128xi32, #tpu.memory_space<vmem_shared>> -> memref<1x128xi32, #tpu.memory_space<vmem_shared>>
      %dma_start3A_251 = tpu.memref_squeeze %dma_start3A_250 : memref<1x128xi32, #tpu.memory_space<vmem_shared>> -> memref<128xi32, #tpu.memory_space<vmem_shared>>
      %dma_start3A_252 = arith.constant 0 : i32
      %dma_start3A_253 = tpu.memref_slice %arg11[%arg1, %dma_start3A_252] : memref<16x128xi32, #tpu.memory_space<vmem_shared>> -> memref<1x128xi32, #tpu.memory_space<vmem_shared>>
      %dma_start3A_254 = tpu.memref_squeeze %dma_start3A_253 : memref<1x128xi32, #tpu.memory_space<vmem_shared>> -> memref<128xi32, #tpu.memory_space<vmem_shared>>
      tpu.enqueue_dma source(%arg9 : memref<128xi32, #tpu.memory_space<vmem>>) target(%dma_start3A_254 : memref<128xi32, #tpu.memory_space<vmem_shared>>) target_semaphore(%run_scoped3A : memref<!tpu.dma_semaphore, #tpu.memory_space<semaphore_mem>>)
      %dma_wait3A = arith.constant 0 : i32
      %dma_wait3A_255 = tpu.memref_slice %arg11[%arg1, %dma_wait3A] : memref<16x128xi32, #tpu.memory_space<vmem_shared>> -> memref<1x128xi32, #tpu.memory_space<vmem_shared>>
      %dma_wait3A_256 = tpu.memref_squeeze %dma_wait3A_255 : memref<1x128xi32, #tpu.memory_space<vmem_shared>> -> memref<128xi32, #tpu.memory_space<vmem_shared>>
      %dma_wait3A_257 = arith.constant 0 : i32
      %dma_wait3A_258 = tpu.memref_slice %arg11[%arg1, %dma_wait3A_257] : memref<16x128xi32, #tpu.memory_space<vmem_shared>> -> memref<1x128xi32, #tpu.memory_space<vmem_shared>>
      %dma_wait3A_259 = tpu.memref_squeeze %dma_wait3A_258 : memref<1x128xi32, #tpu.memory_space<vmem_shared>> -> memref<128xi32, #tpu.memory_space<vmem_shared>>
      tpu.wait_dma2 semaphore(%run_scoped3A : memref<!tpu.dma_semaphore, #tpu.memory_space<semaphore_mem>>) src(%arg9 : memref<128xi32, #tpu.memory_space<vmem>>) dst(%dma_wait3A_259 : memref<128xi32, #tpu.memory_space<vmem_shared>>)
      tpu.yield
    }) : () -> ()
    %barrier3A = arith.constant 0 : index
    tpu.barrier barrier_id(%barrier3A)
    "tpu.region"() ({
      %run_scoped3A = tpu.sem_alloc : memref<!tpu.dma_semaphore, #tpu.memory_space<semaphore_mem>>
      tpu.enqueue_dma source(%arg11 : memref<16x128xi32, #tpu.memory_space<vmem_shared>>) target(%arg10 : memref<16x128xi32, #tpu.memory_space<vmem>>) target_semaphore(%run_scoped3A : memref<!tpu.dma_semaphore, #tpu.memory_space<semaphore_mem>>)
      tpu.wait_dma2 semaphore(%run_scoped3A : memref<!tpu.dma_semaphore, #tpu.memory_space<semaphore_mem>>) src(%arg11 : memref<16x128xi32, #tpu.memory_space<vmem_shared>>) dst(%arg10 : memref<16x128xi32, #tpu.memory_space<vmem>>)
      tpu.yield
    }) : () -> ()
    %get3A = arith.constant 0 : i32
    %get3A_30 = arith.index_cast %get3A : i32 to index
    %get3A_31 = arith.constant 0 : index
    %get3A_32 = tpu.vector_load %arg10[%get3A_30, %get3A_31] {strides = array<i32>} : memref<16x128xi32, #tpu.memory_space<vmem>>, vector<16xi32>,
    %get3A_33 = arith.constant 1 : i32
    %get3A_34 = arith.index_cast %get3A_33 : i32 to index
    %get3A_35 = arith.constant 0 : index
    %get3A_36 = tpu.vector_load %arg10[%get3A_34, %get3A_35] {strides = array<i32>} : memref<16x128xi32, #tpu.memory_space<vmem>>, vector<16xi32>,
    %min3A = arith.minsi %get3A_32, %get3A_36 : vector<16xi32>
    %get3A_37 = arith.constant 2 : i32
    %get3A_38 = arith.index_cast %get3A_37 : i32 to index
    %get3A_39 = arith.constant 0 : index
    %get3A_40 = tpu.vector_load %arg10[%get3A_38, %get3A_39] {strides = array<i32>} : memref<16x128xi32, #tpu.memory_space<vmem>>, vector<16xi32>,
    %min3A_41 = arith.minsi %min3A, %get3A_40 : vector<16xi32>
    %get3A_42 = arith.constant 3 : i32
    %get3A_43 = arith.index_cast %get3A_42 : i32 to index
    %get3A_44 = arith.constant 0 : index
    %get3A_45 = tpu.vector_load %arg10[%get3A_43, %get3A_44] {strides = array<i32>} : memref<16x128xi32, #tpu.memory_space<vmem>>, vector<16xi32>,
    %min3A_46 = arith.minsi %min3A_41, %get3A_45 : vector<16xi32>
    %get3A_47 = arith.constant 4 : i32
    %get3A_48 = arith.index_cast %get3A_47 : i32 to index
    %get3A_49 = arith.constant 0 : index
    %get3A_50 = tpu.vector_load %arg10[%get3A_48, %get3A_49] {strides = array<i32>} : memref<16x128xi32, #tpu.memory_space<vmem>>, vector<16xi32>,
    %min3A_51 = arith.minsi %min3A_46, %get3A_50 : vector<16xi32>
    %get3A_52 = arith.constant 5 : i32
    %get3A_53 = arith.index_cast %get3A_52 : i32 to index
    %get3A_54 = arith.constant 0 : index
    %get3A_55 = tpu.vector_load %arg10[%get3A_53, %get3A_54] {strides = array<i32>} : memref<16x128xi32, #tpu.memory_space<vmem>>, vector<16xi32>,
    %min3A_56 = arith.minsi %min3A_51, %get3A_55 : vector<16xi32>
    %get3A_57 = arith.constant 6 : i32
    %get3A_58 = arith.index_cast %get3A_57 : i32 to index
    %get3A_59 = arith.constant 0 : index
    %get3A_60 = tpu.vector_load %arg10[%get3A_58, %get3A_59] {strides = array<i32>} : memref<16x128xi32, #tpu.memory_space<vmem>>, vector<16xi32>,
    %min3A_61 = arith.minsi %min3A_56, %get3A_60 : vector<16xi32>
    %get3A_62 = arith.constant 7 : i32
    %get3A_63 = arith.index_cast %get3A_62 : i32 to index
    %get3A_64 = arith.constant 0 : index
    %get3A_65 = tpu.vector_load %arg10[%get3A_63, %get3A_64] {strides = array<i32>} : memref<16x128xi32, #tpu.memory_space<vmem>>, vector<16xi32>,
    %min3A_66 = arith.minsi %min3A_61, %get3A_65 : vector<16xi32>
    %get3A_67 = arith.constant 8 : i32
    %get3A_68 = arith.index_cast %get3A_67 : i32 to index
    %get3A_69 = arith.constant 0 : index
    %get3A_70 = tpu.vector_load %arg10[%get3A_68, %get3A_69] {strides = array<i32>} : memref<16x128xi32, #tpu.memory_space<vmem>>, vector<16xi32>,
    %min3A_71 = arith.minsi %min3A_66, %get3A_70 : vector<16xi32>
    %get3A_72 = arith.constant 9 : i32
    %get3A_73 = arith.index_cast %get3A_72 : i32 to index
    %get3A_74 = arith.constant 0 : index
    %get3A_75 = tpu.vector_load %arg10[%get3A_73, %get3A_74] {strides = array<i32>} : memref<16x128xi32, #tpu.memory_space<vmem>>, vector<16xi32>,
    %min3A_76 = arith.minsi %min3A_71, %get3A_75 : vector<16xi32>
    %get3A_77 = arith.constant 10 : i32
    %get3A_78 = arith.index_cast %get3A_77 : i32 to index
    %get3A_79 = arith.constant 0 : index
    %get3A_80 = tpu.vector_load %arg10[%get3A_78, %get3A_79] {strides = array<i32>} : memref<16x128xi32, #tpu.memory_space<vmem>>, vector<16xi32>,
    %min3A_81 = arith.minsi %min3A_76, %get3A_80 : vector<16xi32>
    %get3A_82 = arith.constant 11 : i32
    %get3A_83 = arith.index_cast %get3A_82 : i32 to index
    %get3A_84 = arith.constant 0 : index
    %get3A_85 = tpu.vector_load %arg10[%get3A_83, %get3A_84] {strides = array<i32>} : memref<16x128xi32, #tpu.memory_space<vmem>>, vector<16xi32>,
    %min3A_86 = arith.minsi %min3A_81, %get3A_85 : vector<16xi32>
    %get3A_87 = arith.constant 12 : i32
    %get3A_88 = arith.index_cast %get3A_87 : i32 to index
    %get3A_89 = arith.constant 0 : index
    %get3A_90 = tpu.vector_load %arg10[%get3A_88, %get3A_89] {strides = array<i32>} : memref<16x128xi32, #tpu.memory_space<vmem>>, vector<16xi32>,
    %min3A_91 = arith.minsi %min3A_86, %get3A_90 : vector<16xi32>
    %get3A_92 = arith.constant 13 : i32
    %get3A_93 = arith.index_cast %get3A_92 : i32 to index
    %get3A_94 = arith.constant 0 : index
    %get3A_95 = tpu.vector_load %arg10[%get3A_93, %get3A_94] {strides = array<i32>} : memref<16x128xi32, #tpu.memory_space<vmem>>, vector<16xi32>,
    %min3A_96 = arith.minsi %min3A_91, %get3A_95 : vector<16xi32>
    %get3A_97 = arith.constant 14 : i32
    %get3A_98 = arith.index_cast %get3A_97 : i32 to index
    %get3A_99 = arith.constant 0 : index
    %get3A_100 = tpu.vector_load %arg10[%get3A_98, %get3A_99] {strides = array<i32>} : memref<16x128xi32, #tpu.memory_space<vmem>>, vector<16xi32>,
    %min3A_101 = arith.minsi %min3A_96, %get3A_100 : vector<16xi32>
    %get3A_102 = arith.constant 15 : i32
    %get3A_103 = arith.index_cast %get3A_102 : i32 to index
    %get3A_104 = arith.constant 0 : index
    %get3A_105 = tpu.vector_load %arg10[%get3A_103, %get3A_104] {strides = array<i32>} : memref<16x128xi32, #tpu.memory_space<vmem>>, vector<16xi32>,
    %min3A_106 = arith.minsi %min3A_101, %get3A_105 : vector<16xi32>
    %reduce_min3A = arith.constant true
    %reduce_min3A_107 = vector.broadcast %reduce_min3A : i1 to vector<16xi1>
    %reduce_min3A_108 = arith.constant -2147483648 : i32
    %reduce_min3A_109 = vector.broadcast %reduce_min3A_108 : i32 to vector<16xi32>
    %reduce_min3A_110 = arith.xori %min3A_106, %reduce_min3A_109 : vector<16xi32>
    %reduce_min3A_111 = tpu.scan <min>, %reduce_min3A_110 masked %reduce_min3A_107 : vector<16xi32>, vector<16xi1> -> vector<16xi32>
    %reduce_min3A_112 = arith.xori %reduce_min3A_111, %reduce_min3A_109 : vector<16xi32>
    %reduce_min3A_113 = vector.extract %reduce_min3A_112[15] : i32 from vector<16xi32>
    %max3A = arith.constant 1 : i32
    %max3A_114 = arith.maxsi %reduce_min3A_113, %max3A : i32
    %swap3A_115 = arith.constant 0 : index
    %swap3A_116 = tpu.vector_load %arg8[%swap3A_115] {strides = array<i32>} : memref<1024xi32, #tpu.memory_space<vmem>>, vector<16xi32>,
    tpu.vector_store %arg8[%swap3A_115], %broadcast_in_dim3A_7 {strides = array<i32>} : memref<1024xi32, #tpu.memory_space<vmem>>, vector<16xi32>,
    %swap3A_117 = arith.constant 16 : index
    %swap3A_118 = tpu.vector_load %arg8[%swap3A_117] {strides = array<i32>} : memref<1024xi32, #tpu.memory_space<vmem>>, vector<16xi32>,
    tpu.vector_store %arg8[%swap3A_117], %broadcast_in_dim3A_7 {strides = array<i32>} : memref<1024xi32, #tpu.memory_space<vmem>>, vector<16xi32>,
    %swap3A_119 = arith.constant 32 : index
    %swap3A_120 = tpu.vector_load %arg8[%swap3A_119] {strides = array<i32>} : memref<1024xi32, #tpu.memory_space<vmem>>, vector<16xi32>,
    tpu.vector_store %arg8[%swap3A_119], %broadcast_in_dim3A_7 {strides = array<i32>} : memref<1024xi32, #tpu.memory_space<vmem>>, vector<16xi32>,
    %swap3A_121 = arith.constant 48 : index
    %swap3A_122 = tpu.vector_load %arg8[%swap3A_121] {strides = array<i32>} : memref<1024xi32, #tpu.memory_space<vmem>>, vector<16xi32>,
    tpu.vector_store %arg8[%swap3A_121], %broadcast_in_dim3A_7 {strides = array<i32>} : memref<1024xi32, #tpu.memory_space<vmem>>, vector<16xi32>,
    %swap3A_123 = arith.constant 64 : index
    %swap3A_124 = tpu.vector_load %arg8[%swap3A_123] {strides = array<i32>} : memref<1024xi32, #tpu.memory_space<vmem>>, vector<16xi32>,
    tpu.vector_store %arg8[%swap3A_123], %broadcast_in_dim3A_7 {strides = array<i32>} : memref<1024xi32, #tpu.memory_space<vmem>>, vector<16xi32>,
    %swap3A_125 = arith.constant 80 : index
    %swap3A_126 = tpu.vector_load %arg8[%swap3A_125] {strides = array<i32>} : memref<1024xi32, #tpu.memory_space<vmem>>, vector<16xi32>,
    tpu.vector_store %arg8[%swap3A_125], %broadcast_in_dim3A_7 {strides = array<i32>} : memref<1024xi32, #tpu.memory_space<vmem>>, vector<16xi32>,
    %swap3A_127 = arith.constant 96 : index
    %swap3A_128 = tpu.vector_load %arg8[%swap3A_127] {strides = array<i32>} : memref<1024xi32, #tpu.memory_space<vmem>>, vector<16xi32>,
    tpu.vector_store %arg8[%swap3A_127], %broadcast_in_dim3A_7 {strides = array<i32>} : memref<1024xi32, #tpu.memory_space<vmem>>, vector<16xi32>,
    %swap3A_129 = arith.constant 112 : index
    %swap3A_130 = tpu.vector_load %arg8[%swap3A_129] {strides = array<i32>} : memref<1024xi32, #tpu.memory_space<vmem>>, vector<16xi32>,
    tpu.vector_store %arg8[%swap3A_129], %broadcast_in_dim3A_7 {strides = array<i32>} : memref<1024xi32, #tpu.memory_space<vmem>>, vector<16xi32>,
    %swap3A_131 = arith.constant 128 : index
    %swap3A_132 = tpu.vector_load %arg8[%swap3A_131] {strides = array<i32>} : memref<1024xi32, #tpu.memory_space<vmem>>, vector<16xi32>,
    tpu.vector_store %arg8[%swap3A_131], %broadcast_in_dim3A_7 {strides = array<i32>} : memref<1024xi32, #tpu.memory_space<vmem>>, vector<16xi32>,
    %swap3A_133 = arith.constant 144 : index
    %swap3A_134 = tpu.vector_load %arg8[%swap3A_133] {strides = array<i32>} : memref<1024xi32, #tpu.memory_space<vmem>>, vector<16xi32>,
    tpu.vector_store %arg8[%swap3A_133], %broadcast_in_dim3A_7 {strides = array<i32>} : memref<1024xi32, #tpu.memory_space<vmem>>, vector<16xi32>,
    %swap3A_135 = arith.constant 160 : index
    %swap3A_136 = tpu.vector_load %arg8[%swap3A_135] {strides = array<i32>} : memref<1024xi32, #tpu.memory_space<vmem>>, vector<16xi32>,
    tpu.vector_store %arg8[%swap3A_135], %broadcast_in_dim3A_7 {strides = array<i32>} : memref<1024xi32, #tpu.memory_space<vmem>>, vector<16xi32>,
    %swap3A_137 = arith.constant 176 : index
    %swap3A_138 = tpu.vector_load %arg8[%swap3A_137] {strides = array<i32>} : memref<1024xi32, #tpu.memory_space<vmem>>, vector<16xi32>,
    tpu.vector_store %arg8[%swap3A_137], %broadcast_in_dim3A_7 {strides = array<i32>} : memref<1024xi32, #tpu.memory_space<vmem>>, vector<16xi32>,
    %swap3A_139 = arith.constant 192 : index
    %swap3A_140 = tpu.vector_load %arg8[%swap3A_139] {strides = array<i32>} : memref<1024xi32, #tpu.memory_space<vmem>>, vector<16xi32>,
    tpu.vector_store %arg8[%swap3A_139], %broadcast_in_dim3A_7 {strides = array<i32>} : memref<1024xi32, #tpu.memory_space<vmem>>, vector<16xi32>,
    %swap3A_141 = arith.constant 208 : index
    %swap3A_142 = tpu.vector_load %arg8[%swap3A_141] {strides = array<i32>} : memref<1024xi32, #tpu.memory_space<vmem>>, vector<16xi32>,
    tpu.vector_store %arg8[%swap3A_141], %broadcast_in_dim3A_7 {strides = array<i32>} : memref<1024xi32, #tpu.memory_space<vmem>>, vector<16xi32>,
    %swap3A_143 = arith.constant 224 : index
    %swap3A_144 = tpu.vector_load %arg8[%swap3A_143] {strides = array<i32>} : memref<1024xi32, #tpu.memory_space<vmem>>, vector<16xi32>,
    tpu.vector_store %arg8[%swap3A_143], %broadcast_in_dim3A_7 {strides = array<i32>} : memref<1024xi32, #tpu.memory_space<vmem>>, vector<16xi32>,
    %swap3A_145 = arith.constant 240 : index
    %swap3A_146 = tpu.vector_load %arg8[%swap3A_145] {strides = array<i32>} : memref<1024xi32, #tpu.memory_space<vmem>>, vector<16xi32>,
    tpu.vector_store %arg8[%swap3A_145], %broadcast_in_dim3A_7 {strides = array<i32>} : memref<1024xi32, #tpu.memory_space<vmem>>, vector<16xi32>,
    %swap3A_147 = arith.constant 256 : index
    %swap3A_148 = tpu.vector_load %arg8[%swap3A_147] {strides = array<i32>} : memref<1024xi32, #tpu.memory_space<vmem>>, vector<16xi32>,
    tpu.vector_store %arg8[%swap3A_147], %broadcast_in_dim3A_7 {strides = array<i32>} : memref<1024xi32, #tpu.memory_space<vmem>>, vector<16xi32>,
    %swap3A_149 = arith.constant 272 : index
    %swap3A_150 = tpu.vector_load %arg8[%swap3A_149] {strides = array<i32>} : memref<1024xi32, #tpu.memory_space<vmem>>, vector<16xi32>,
    tpu.vector_store %arg8[%swap3A_149], %broadcast_in_dim3A_7 {strides = array<i32>} : memref<1024xi32, #tpu.memory_space<vmem>>, vector<16xi32>,
    %swap3A_151 = arith.constant 288 : index
    %swap3A_152 = tpu.vector_load %arg8[%swap3A_151] {strides = array<i32>} : memref<1024xi32, #tpu.memory_space<vmem>>, vector<16xi32>,
    tpu.vector_store %arg8[%swap3A_151], %broadcast_in_dim3A_7 {strides = array<i32>} : memref<1024xi32, #tpu.memory_space<vmem>>, vector<16xi32>,
    %swap3A_153 = arith.constant 304 : index
    %swap3A_154 = tpu.vector_load %arg8[%swap3A_153] {strides = array<i32>} : memref<1024xi32, #tpu.memory_space<vmem>>, vector<16xi32>,
    tpu.vector_store %arg8[%swap3A_153], %broadcast_in_dim3A_7 {strides = array<i32>} : memref<1024xi32, #tpu.memory_space<vmem>>, vector<16xi32>,
    %swap3A_155 = arith.constant 320 : index
    %swap3A_156 = tpu.vector_load %arg8[%swap3A_155] {strides = array<i32>} : memref<1024xi32, #tpu.memory_space<vmem>>, vector<16xi32>,
    tpu.vector_store %arg8[%swap3A_155], %broadcast_in_dim3A_7 {strides = array<i32>} : memref<1024xi32, #tpu.memory_space<vmem>>, vector<16xi32>,
    %swap3A_157 = arith.constant 336 : index
    %swap3A_158 = tpu.vector_load %arg8[%swap3A_157] {strides = array<i32>} : memref<1024xi32, #tpu.memory_space<vmem>>, vector<16xi32>,
    tpu.vector_store %arg8[%swap3A_157], %broadcast_in_dim3A_7 {strides = array<i32>} : memref<1024xi32, #tpu.memory_space<vmem>>, vector<16xi32>,
    %swap3A_159 = arith.constant 352 : index
    %swap3A_160 = tpu.vector_load %arg8[%swap3A_159] {strides = array<i32>} : memref<1024xi32, #tpu.memory_space<vmem>>, vector<16xi32>,
    tpu.vector_store %arg8[%swap3A_159], %broadcast_in_dim3A_7 {strides = array<i32>} : memref<1024xi32, #tpu.memory_space<vmem>>, vector<16xi32>,
    %swap3A_161 = arith.constant 368 : index
    %swap3A_162 = tpu.vector_load %arg8[%swap3A_161] {strides = array<i32>} : memref<1024xi32, #tpu.memory_space<vmem>>, vector<16xi32>,
    tpu.vector_store %arg8[%swap3A_161], %broadcast_in_dim3A_7 {strides = array<i32>} : memref<1024xi32, #tpu.memory_space<vmem>>, vector<16xi32>,
    %swap3A_163 = arith.constant 384 : index
    %swap3A_164 = tpu.vector_load %arg8[%swap3A_163] {strides = array<i32>} : memref<1024xi32, #tpu.memory_space<vmem>>, vector<16xi32>,
    tpu.vector_store %arg8[%swap3A_163], %broadcast_in_dim3A_7 {strides = array<i32>} : memref<1024xi32, #tpu.memory_space<vmem>>, vector<16xi32>,
    %swap3A_165 = arith.constant 400 : index
    %swap3A_166 = tpu.vector_load %arg8[%swap3A_165] {strides = array<i32>} : memref<1024xi32, #tpu.memory_space<vmem>>, vector<16xi32>,
    tpu.vector_store %arg8[%swap3A_165], %broadcast_in_dim3A_7 {strides = array<i32>} : memref<1024xi32, #tpu.memory_space<vmem>>, vector<16xi32>,
    %swap3A_167 = arith.constant 416 : index
    %swap3A_168 = tpu.vector_load %arg8[%swap3A_167] {strides = array<i32>} : memref<1024xi32, #tpu.memory_space<vmem>>, vector<16xi32>,
    tpu.vector_store %arg8[%swap3A_167], %broadcast_in_dim3A_7 {strides = array<i32>} : memref<1024xi32, #tpu.memory_space<vmem>>, vector<16xi32>,
    %swap3A_169 = arith.constant 432 : index
    %swap3A_170 = tpu.vector_load %arg8[%swap3A_169] {strides = array<i32>} : memref<1024xi32, #tpu.memory_space<vmem>>, vector<16xi32>,
    tpu.vector_store %arg8[%swap3A_169], %broadcast_in_dim3A_7 {strides = array<i32>} : memref<1024xi32, #tpu.memory_space<vmem>>, vector<16xi32>,
    %swap3A_171 = arith.constant 448 : index
    %swap3A_172 = tpu.vector_load %arg8[%swap3A_171] {strides = array<i32>} : memref<1024xi32, #tpu.memory_space<vmem>>, vector<16xi32>,
    tpu.vector_store %arg8[%swap3A_171], %broadcast_in_dim3A_7 {strides = array<i32>} : memref<1024xi32, #tpu.memory_space<vmem>>, vector<16xi32>,
    %swap3A_173 = arith.constant 464 : index
    %swap3A_174 = tpu.vector_load %arg8[%swap3A_173] {strides = array<i32>} : memref<1024xi32, #tpu.memory_space<vmem>>, vector<16xi32>,
    tpu.vector_store %arg8[%swap3A_173], %broadcast_in_dim3A_7 {strides = array<i32>} : memref<1024xi32, #tpu.memory_space<vmem>>, vector<16xi32>,
    %swap3A_175 = arith.constant 480 : index
    %swap3A_176 = tpu.vector_load %arg8[%swap3A_175] {strides = array<i32>} : memref<1024xi32, #tpu.memory_space<vmem>>, vector<16xi32>,
    tpu.vector_store %arg8[%swap3A_175], %broadcast_in_dim3A_7 {strides = array<i32>} : memref<1024xi32, #tpu.memory_space<vmem>>, vector<16xi32>,
    %swap3A_177 = arith.constant 496 : index
    %swap3A_178 = tpu.vector_load %arg8[%swap3A_177] {strides = array<i32>} : memref<1024xi32, #tpu.memory_space<vmem>>, vector<16xi32>,
    tpu.vector_store %arg8[%swap3A_177], %broadcast_in_dim3A_7 {strides = array<i32>} : memref<1024xi32, #tpu.memory_space<vmem>>, vector<16xi32>,
    %swap3A_179 = arith.constant 512 : index
    %swap3A_180 = tpu.vector_load %arg8[%swap3A_179] {strides = array<i32>} : memref<1024xi32, #tpu.memory_space<vmem>>, vector<16xi32>,
    tpu.vector_store %arg8[%swap3A_179], %broadcast_in_dim3A_7 {strides = array<i32>} : memref<1024xi32, #tpu.memory_space<vmem>>, vector<16xi32>,
    %swap3A_181 = arith.constant 528 : index
    %swap3A_182 = tpu.vector_load %arg8[%swap3A_181] {strides = array<i32>} : memref<1024xi32, #tpu.memory_space<vmem>>, vector<16xi32>,
    tpu.vector_store %arg8[%swap3A_181], %broadcast_in_dim3A_7 {strides = array<i32>} : memref<1024xi32, #tpu.memory_space<vmem>>, vector<16xi32>,
    %swap3A_183 = arith.constant 544 : index
    %swap3A_184 = tpu.vector_load %arg8[%swap3A_183] {strides = array<i32>} : memref<1024xi32, #tpu.memory_space<vmem>>, vector<16xi32>,
    tpu.vector_store %arg8[%swap3A_183], %broadcast_in_dim3A_7 {strides = array<i32>} : memref<1024xi32, #tpu.memory_space<vmem>>, vector<16xi32>,
    %swap3A_185 = arith.constant 560 : index
    %swap3A_186 = tpu.vector_load %arg8[%swap3A_185] {strides = array<i32>} : memref<1024xi32, #tpu.memory_space<vmem>>, vector<16xi32>,
    tpu.vector_store %arg8[%swap3A_185], %broadcast_in_dim3A_7 {strides = array<i32>} : memref<1024xi32, #tpu.memory_space<vmem>>, vector<16xi32>,
    %swap3A_187 = arith.constant 576 : index
    %swap3A_188 = tpu.vector_load %arg8[%swap3A_187] {strides = array<i32>} : memref<1024xi32, #tpu.memory_space<vmem>>, vector<16xi32>,
    tpu.vector_store %arg8[%swap3A_187], %broadcast_in_dim3A_7 {strides = array<i32>} : memref<1024xi32, #tpu.memory_space<vmem>>, vector<16xi32>,
    %swap3A_189 = arith.constant 592 : index
    %swap3A_190 = tpu.vector_load %arg8[%swap3A_189] {strides = array<i32>} : memref<1024xi32, #tpu.memory_space<vmem>>, vector<16xi32>,
    tpu.vector_store %arg8[%swap3A_189], %broadcast_in_dim3A_7 {strides = array<i32>} : memref<1024xi32, #tpu.memory_space<vmem>>, vector<16xi32>,
    %swap3A_191 = arith.constant 608 : index
    %swap3A_192 = tpu.vector_load %arg8[%swap3A_191] {strides = array<i32>} : memref<1024xi32, #tpu.memory_space<vmem>>, vector<16xi32>,
    tpu.vector_store %arg8[%swap3A_191], %broadcast_in_dim3A_7 {strides = array<i32>} : memref<1024xi32, #tpu.memory_space<vmem>>, vector<16xi32>,
    %swap3A_193 = arith.constant 624 : index
    %swap3A_194 = tpu.vector_load %arg8[%swap3A_193] {strides = array<i32>} : memref<1024xi32, #tpu.memory_space<vmem>>, vector<16xi32>,
    tpu.vector_store %arg8[%swap3A_193], %broadcast_in_dim3A_7 {strides = array<i32>} : memref<1024xi32, #tpu.memory_space<vmem>>, vector<16xi32>,
    %swap3A_195 = arith.constant 640 : index
    %swap3A_196 = tpu.vector_load %arg8[%swap3A_195] {strides = array<i32>} : memref<1024xi32, #tpu.memory_space<vmem>>, vector<16xi32>,
    tpu.vector_store %arg8[%swap3A_195], %broadcast_in_dim3A_7 {strides = array<i32>} : memref<1024xi32, #tpu.memory_space<vmem>>, vector<16xi32>,
    %swap3A_197 = arith.constant 656 : index
    %swap3A_198 = tpu.vector_load %arg8[%swap3A_197] {strides = array<i32>} : memref<1024xi32, #tpu.memory_space<vmem>>, vector<16xi32>,
    tpu.vector_store %arg8[%swap3A_197], %broadcast_in_dim3A_7 {strides = array<i32>} : memref<1024xi32, #tpu.memory_space<vmem>>, vector<16xi32>,
    %swap3A_199 = arith.constant 672 : index
    %swap3A_200 = tpu.vector_load %arg8[%swap3A_199] {strides = array<i32>} : memref<1024xi32, #tpu.memory_space<vmem>>, vector<16xi32>,
    tpu.vector_store %arg8[%swap3A_199], %broadcast_in_dim3A_7 {strides = array<i32>} : memref<1024xi32, #tpu.memory_space<vmem>>, vector<16xi32>,
    %swap3A_201 = arith.constant 688 : index
    %swap3A_202 = tpu.vector_load %arg8[%swap3A_201] {strides = array<i32>} : memref<1024xi32, #tpu.memory_space<vmem>>, vector<16xi32>,
    tpu.vector_store %arg8[%swap3A_201], %broadcast_in_dim3A_7 {strides = array<i32>} : memref<1024xi32, #tpu.memory_space<vmem>>, vector<16xi32>,
    %swap3A_203 = arith.constant 704 : index
    %swap3A_204 = tpu.vector_load %arg8[%swap3A_203] {strides = array<i32>} : memref<1024xi32, #tpu.memory_space<vmem>>, vector<16xi32>,
    tpu.vector_store %arg8[%swap3A_203], %broadcast_in_dim3A_7 {strides = array<i32>} : memref<1024xi32, #tpu.memory_space<vmem>>, vector<16xi32>,
    %swap3A_205 = arith.constant 720 : index
    %swap3A_206 = tpu.vector_load %arg8[%swap3A_205] {strides = array<i32>} : memref<1024xi32, #tpu.memory_space<vmem>>, vector<16xi32>,
    tpu.vector_store %arg8[%swap3A_205], %broadcast_in_dim3A_7 {strides = array<i32>} : memref<1024xi32, #tpu.memory_space<vmem>>, vector<16xi32>,
    %swap3A_207 = arith.constant 736 : index
    %swap3A_208 = tpu.vector_load %arg8[%swap3A_207] {strides = array<i32>} : memref<1024xi32, #tpu.memory_space<vmem>>, vector<16xi32>,
    tpu.vector_store %arg8[%swap3A_207], %broadcast_in_dim3A_7 {strides = array<i32>} : memref<1024xi32, #tpu.memory_space<vmem>>, vector<16xi32>,
    %swap3A_209 = arith.constant 752 : index
    %swap3A_210 = tpu.vector_load %arg8[%swap3A_209] {strides = array<i32>} : memref<1024xi32, #tpu.memory_space<vmem>>, vector<16xi32>,
    tpu.vector_store %arg8[%swap3A_209], %broadcast_in_dim3A_7 {strides = array<i32>} : memref<1024xi32, #tpu.memory_space<vmem>>, vector<16xi32>,
    %swap3A_211 = arith.constant 768 : index
    %swap3A_212 = tpu.vector_load %arg8[%swap3A_211] {strides = array<i32>} : memref<1024xi32, #tpu.memory_space<vmem>>, vector<16xi32>,
    tpu.vector_store %arg8[%swap3A_211], %broadcast_in_dim3A_7 {strides = array<i32>} : memref<1024xi32, #tpu.memory_space<vmem>>, vector<16xi32>,
    %swap3A_213 = arith.constant 784 : index
    %swap3A_214 = tpu.vector_load %arg8[%swap3A_213] {strides = array<i32>} : memref<1024xi32, #tpu.memory_space<vmem>>, vector<16xi32>,
    tpu.vector_store %arg8[%swap3A_213], %broadcast_in_dim3A_7 {strides = array<i32>} : memref<1024xi32, #tpu.memory_space<vmem>>, vector<16xi32>,
    %swap3A_215 = arith.constant 800 : index
    %swap3A_216 = tpu.vector_load %arg8[%swap3A_215] {strides = array<i32>} : memref<1024xi32, #tpu.memory_space<vmem>>, vector<16xi32>,
    tpu.vector_store %arg8[%swap3A_215], %broadcast_in_dim3A_7 {strides = array<i32>} : memref<1024xi32, #tpu.memory_space<vmem>>, vector<16xi32>,
    %swap3A_217 = arith.constant 816 : index
    %swap3A_218 = tpu.vector_load %arg8[%swap3A_217] {strides = array<i32>} : memref<1024xi32, #tpu.memory_space<vmem>>, vector<16xi32>,
    tpu.vector_store %arg8[%swap3A_217], %broadcast_in_dim3A_7 {strides = array<i32>} : memref<1024xi32, #tpu.memory_space<vmem>>, vector<16xi32>,
    %swap3A_219 = arith.constant 832 : index
    %swap3A_220 = tpu.vector_load %arg8[%swap3A_219] {strides = array<i32>} : memref<1024xi32, #tpu.memory_space<vmem>>, vector<16xi32>,
    tpu.vector_store %arg8[%swap3A_219], %broadcast_in_dim3A_7 {strides = array<i32>} : memref<1024xi32, #tpu.memory_space<vmem>>, vector<16xi32>,
    %swap3A_221 = arith.constant 848 : index
    %swap3A_222 = tpu.vector_load %arg8[%swap3A_221] {strides = array<i32>} : memref<1024xi32, #tpu.memory_space<vmem>>, vector<16xi32>,
    tpu.vector_store %arg8[%swap3A_221], %broadcast_in_dim3A_7 {strides = array<i32>} : memref<1024xi32, #tpu.memory_space<vmem>>, vector<16xi32>,
    %swap3A_223 = arith.constant 864 : index
    %swap3A_224 = tpu.vector_load %arg8[%swap3A_223] {strides = array<i32>} : memref<1024xi32, #tpu.memory_space<vmem>>, vector<16xi32>,
    tpu.vector_store %arg8[%swap3A_223], %broadcast_in_dim3A_7 {strides = array<i32>} : memref<1024xi32, #tpu.memory_space<vmem>>, vector<16xi32>,
    %swap3A_225 = arith.constant 880 : index
    %swap3A_226 = tpu.vector_load %arg8[%swap3A_225] {strides = array<i32>} : memref<1024xi32, #tpu.memory_space<vmem>>, vector<16xi32>,
    tpu.vector_store %arg8[%swap3A_225], %broadcast_in_dim3A_7 {strides = array<i32>} : memref<1024xi32, #tpu.memory_space<vmem>>, vector<16xi32>,
    %swap3A_227 = arith.constant 896 : index
    %swap3A_228 = tpu.vector_load %arg8[%swap3A_227] {strides = array<i32>} : memref<1024xi32, #tpu.memory_space<vmem>>, vector<16xi32>,
    tpu.vector_store %arg8[%swap3A_227], %broadcast_in_dim3A_7 {strides = array<i32>} : memref<1024xi32, #tpu.memory_space<vmem>>, vector<16xi32>,
    %swap3A_229 = arith.constant 912 : index
    %swap3A_230 = tpu.vector_load %arg8[%swap3A_229] {strides = array<i32>} : memref<1024xi32, #tpu.memory_space<vmem>>, vector<16xi32>,
    tpu.vector_store %arg8[%swap3A_229], %broadcast_in_dim3A_7 {strides = array<i32>} : memref<1024xi32, #tpu.memory_space<vmem>>, vector<16xi32>,
    %swap3A_231 = arith.constant 928 : index
    %swap3A_232 = tpu.vector_load %arg8[%swap3A_231] {strides = array<i32>} : memref<1024xi32, #tpu.memory_space<vmem>>, vector<16xi32>,
    tpu.vector_store %arg8[%swap3A_231], %broadcast_in_dim3A_7 {strides = array<i32>} : memref<1024xi32, #tpu.memory_space<vmem>>, vector<16xi32>,
    %swap3A_233 = arith.constant 944 : index
    %swap3A_234 = tpu.vector_load %arg8[%swap3A_233] {strides = array<i32>} : memref<1024xi32, #tpu.memory_space<vmem>>, vector<16xi32>,
    tpu.vector_store %arg8[%swap3A_233], %broadcast_in_dim3A_7 {strides = array<i32>} : memref<1024xi32, #tpu.memory_space<vmem>>, vector<16xi32>,
    %swap3A_235 = arith.constant 960 : index
    %swap3A_236 = tpu.vector_load %arg8[%swap3A_235] {strides = array<i32>} : memref<1024xi32, #tpu.memory_space<vmem>>, vector<16xi32>,
    tpu.vector_store %arg8[%swap3A_235], %broadcast_in_dim3A_7 {strides = array<i32>} : memref<1024xi32, #tpu.memory_space<vmem>>, vector<16xi32>,
    %swap3A_237 = arith.constant 976 : index
    %swap3A_238 = tpu.vector_load %arg8[%swap3A_237] {strides = array<i32>} : memref<1024xi32, #tpu.memory_space<vmem>>, vector<16xi32>,
    tpu.vector_store %arg8[%swap3A_237], %broadcast_in_dim3A_7 {strides = array<i32>} : memref<1024xi32, #tpu.memory_space<vmem>>, vector<16xi32>,
    %swap3A_239 = arith.constant 992 : index
    %swap3A_240 = tpu.vector_load %arg8[%swap3A_239] {strides = array<i32>} : memref<1024xi32, #tpu.memory_space<vmem>>, vector<16xi32>,
    tpu.vector_store %arg8[%swap3A_239], %broadcast_in_dim3A_7 {strides = array<i32>} : memref<1024xi32, #tpu.memory_space<vmem>>, vector<16xi32>,
    %swap3A_241 = arith.constant 1008 : index
    %swap3A_242 = tpu.vector_load %arg8[%swap3A_241] {strides = array<i32>} : memref<1024xi32, #tpu.memory_space<vmem>>, vector<16xi32>,
    tpu.vector_store %arg8[%swap3A_241], %broadcast_in_dim3A_7 {strides = array<i32>} : memref<1024xi32, #tpu.memory_space<vmem>>, vector<16xi32>,
    %scan3A_243 = arith.constant 0 : i32
    %scan3A_244 = arith.constant 0 : i32
    %scan3A_245 = arith.constant 2 : i32
    %scan3A_246 = arith.addi %scan3A_244, %scan3A_245 : i32
    %scan3A_247 = arith.constant 1 : i32
    %scan3A_248 = scf.for %scan3A_250 = %scan3A_244 to %scan3A_246 step %scan3A_247 iter_args(%scan3A_251 = %scan3A_243) -> (i32)  : i32 {
      %mul3A_252 = arith.constant 2 : i32
      %mul3A_253 = arith.muli %add3A, %mul3A_252 : i32
      %add3A_254 = arith.addi %mul3A_253, %scan3A_250 : i32
      "tpu.region"() ({
        %run_scoped3A = tpu.sem_alloc : memref<!tpu.dma_semaphore, #tpu.memory_space<semaphore_mem>>
        %dma_start3A = arith.constant 0 : i32
        %dma_start3A_407 = tpu.memref_slice %arg2[%add3A_254, %dma_start3A] : memref<64x32768xi32, #tpu.memory_space<hbm>> -> memref<1x32768xi32, #tpu.memory_space<hbm>>
        %dma_start3A_408 = tpu.memref_squeeze %dma_start3A_407 : memref<1x32768xi32, #tpu.memory_space<hbm>> -> memref<32768xi32, #tpu.memory_space<hbm>>
        %dma_start3A_409 = arith.constant 0 : i32
        %dma_start3A_410 = tpu.memref_slice %arg2[%add3A_254, %dma_start3A_409] : memref<64x32768xi32, #tpu.memory_space<hbm>> -> memref<1x32768xi32, #tpu.memory_space<hbm>>
        %dma_start3A_411 = tpu.memref_squeeze %dma_start3A_410 : memref<1x32768xi32, #tpu.memory_space<hbm>> -> memref<32768xi32, #tpu.memory_space<hbm>>
        tpu.enqueue_dma source(%dma_start3A_411 : memref<32768xi32, #tpu.memory_space<hbm>>) target(%arg5 : memref<32768xi32, #tpu.memory_space<vmem>>) target_semaphore(%run_scoped3A : memref<!tpu.dma_semaphore, #tpu.memory_space<semaphore_mem>>)
        %dma_wait3A = arith.constant 0 : i32
        %dma_wait3A_412 = tpu.memref_slice %arg2[%add3A_254, %dma_wait3A] : memref<64x32768xi32, #tpu.memory_space<hbm>> -> memref<1x32768xi32, #tpu.memory_space<hbm>>
        %dma_wait3A_413 = tpu.memref_squeeze %dma_wait3A_412 : memref<1x32768xi32, #tpu.memory_space<hbm>> -> memref<32768xi32, #tpu.memory_space<hbm>>
        %dma_wait3A_414 = arith.constant 0 : i32
        %dma_wait3A_415 = tpu.memref_slice %arg2[%add3A_254, %dma_wait3A_414] : memref<64x32768xi32, #tpu.memory_space<hbm>> -> memref<1x32768xi32, #tpu.memory_space<hbm>>
        %dma_wait3A_416 = tpu.memref_squeeze %dma_wait3A_415 : memref<1x32768xi32, #tpu.memory_space<hbm>> -> memref<32768xi32, #tpu.memory_space<hbm>>
        tpu.wait_dma2 semaphore(%run_scoped3A : memref<!tpu.dma_semaphore, #tpu.memory_space<semaphore_mem>>) src(%dma_wait3A_416 : memref<32768xi32, #tpu.memory_space<hbm>>) dst(%arg5 : memref<32768xi32, #tpu.memory_space<vmem>>)
        tpu.yield
      }) : () -> ()
      "tpu.region"() ({
        %run_scoped3A = tpu.sem_alloc : memref<!tpu.dma_semaphore, #tpu.memory_space<semaphore_mem>>
        %dma_start3A = arith.constant 0 : i32
        %dma_start3A_407 = tpu.memref_slice %arg3[%add3A_254, %dma_start3A] : memref<64x8192xi32, #tpu.memory_space<hbm>> -> memref<1x8192xi32, #tpu.memory_space<hbm>>
        %dma_start3A_408 = tpu.memref_squeeze %dma_start3A_407 : memref<1x8192xi32, #tpu.memory_space<hbm>> -> memref<8192xi32, #tpu.memory_space<hbm>>
        %dma_start3A_409 = arith.constant 0 : i32
        %dma_start3A_410 = tpu.memref_slice %arg3[%add3A_254, %dma_start3A_409] : memref<64x8192xi32, #tpu.memory_space<hbm>> -> memref<1x8192xi32, #tpu.memory_space<hbm>>
        %dma_start3A_411 = tpu.memref_squeeze %dma_start3A_410 : memref<1x8192xi32, #tpu.memory_space<hbm>> -> memref<8192xi32, #tpu.memory_space<hbm>>
        tpu.enqueue_dma source(%dma_start3A_411 : memref<8192xi32, #tpu.memory_space<hbm>>) target(%arg7 : memref<8192xi32, #tpu.memory_space<vmem>>) target_semaphore(%run_scoped3A : memref<!tpu.dma_semaphore, #tpu.memory_space<semaphore_mem>>)
        %dma_wait3A = arith.constant 0 : i32
        %dma_wait3A_412 = tpu.memref_slice %arg3[%add3A_254, %dma_wait3A] : memref<64x8192xi32, #tpu.memory_space<hbm>> -> memref<1x8192xi32, #tpu.memory_space<hbm>>
        %dma_wait3A_413 = tpu.memref_squeeze %dma_wait3A_412 : memref<1x8192xi32, #tpu.memory_space<hbm>> -> memref<8192xi32, #tpu.memory_space<hbm>>
        %dma_wait3A_414 = arith.constant 0 : i32
        %dma_wait3A_415 = tpu.memref_slice %arg3[%add3A_254, %dma_wait3A_414] : memref<64x8192xi32, #tpu.memory_space<hbm>> -> memref<1x8192xi32, #tpu.memory_space<hbm>>
        %dma_wait3A_416 = tpu.memref_squeeze %dma_wait3A_415 : memref<1x8192xi32, #tpu.memory_space<hbm>> -> memref<8192xi32, #tpu.memory_space<hbm>>
        tpu.wait_dma2 semaphore(%run_scoped3A : memref<!tpu.dma_semaphore, #tpu.memory_space<semaphore_mem>>) src(%dma_wait3A_416 : memref<8192xi32, #tpu.memory_space<hbm>>) dst(%arg7 : memref<8192xi32, #tpu.memory_space<vmem>>)
        tpu.yield
      }) : () -> ()
      %shift_right_arithmetic3A_255 = arith.constant 2 : i32
      %shift_right_arithmetic3A_256 = arith.shrsi %add3A_254, %shift_right_arithmetic3A_255 : i32
      %get3A_257 = arith.index_cast %shift_right_arithmetic3A_256 : i32 to index
      %get3A_258 = arith.constant 0 : index
      %get3A_259 = tpu.vector_load %arg10[%get3A_257, %get3A_258] {strides = array<i32>} : memref<16x128xi32, #tpu.memory_space<vmem>>, vector<16xi32>,
      %and3A_260 = arith.constant 3 : i32
      %and3A_261 = arith.andi %add3A_254, %and3A_260 : i32
      %eq3A = vector.broadcast %and3A_261 : i32 to vector<16xi32>
      %eq3A_262 = arith.cmpi eq, %iota3A, %eq3A : vector<16xi32>
      %jit3A = arith.constant 0 : i32
      %broadcast_in_dim3A_263 = vector.broadcast %jit3A : i32 to vector<16xi32>
      %select_n3A = arith.select %eq3A_262, %get3A_259, %broadcast_in_dim3A_263 : vector<16xi1>, vector<16xi32>
      %reduce_sum3A = arith.constant true
      %reduce_sum3A_264 = vector.broadcast %reduce_sum3A : i1 to vector<16xi1>
      %reduce_sum3A_265 = tpu.scan <sum>, %select_n3A masked %reduce_sum3A_264 : vector<16xi32>, vector<16xi1> -> vector<16xi32>
      %reduce_sum3A_266 = vector.extract %reduce_sum3A_265[15] : i32 from vector<16xi32>
      %parallel_loop3A = arith.constant 0 : i32
      %parallel_loop3A_267 = arith.constant 2048 : i32
      %parallel_loop3A_268 = arith.constant 1 : i32
      scf.for %parallel_loop3A_407 = %parallel_loop3A to %parallel_loop3A_267 step %parallel_loop3A_268  : i32 {
        %parallel_loop3A_408 = arith.constant 16 : i32
        %parallel_loop3A_409 = arith.muli %parallel_loop3A_407, %parallel_loop3A_408 : i32
        %parallel_loop3A_410 = arith.index_cast %parallel_loop3A_409 : i32 to index
        %parallel_loop3A_411 = tpu.vector_load %arg5[%parallel_loop3A_410] {strides = array<i32>} : memref<32768xi32, #tpu.memory_space<vmem>>, vector<16xi32>,
        %parallel_loop3A_412 = arith.constant 4 : i32
        %parallel_loop3A_413 = arith.muli %parallel_loop3A_407, %parallel_loop3A_412 : i32
        %parallel_loop3A_414 = vector.broadcast %parallel_loop3A_413 : i32 to vector<16xi32>
        %parallel_loop3A_415 = arith.addi %shift_right_arithmetic3A_2, %parallel_loop3A_414 : vector<16xi32>
        %parallel_loop3A_416 = tpu.vector_load_idx %arg7[%parallel_loop3A_415] : memref<8192xi32, #tpu.memory_space<vmem>>[vector<16xi32>], vector<16xi32>,
        %parallel_loop3A_417 = arith.shrsi %parallel_loop3A_416, %and3A_4 : vector<16xi32>
        %parallel_loop3A_418 = arith.constant 1 : i32
        %parallel_loop3A_419 = vector.broadcast %parallel_loop3A_418 : i32 to vector<16xi32>
        %parallel_loop3A_420 = arith.andi %parallel_loop3A_417, %parallel_loop3A_419 : vector<16xi32>
        %parallel_loop3A_421 = arith.constant 1 : i32
        %parallel_loop3A_422 = vector.broadcast %parallel_loop3A_421 : i32 to vector<16xi32>
        %parallel_loop3A_423 = arith.cmpi eq, %parallel_loop3A_420, %parallel_loop3A_422 : vector<16xi32>
        %parallel_loop3A_424 = arith.constant -1 : i32
        %parallel_loop3A_425 = vector.broadcast %parallel_loop3A_424 : i32 to vector<16xi32>
        %parallel_loop3A_426 = arith.select %parallel_loop3A_423, %parallel_loop3A_411, %parallel_loop3A_425 : vector<16xi1>, vector<16xi32>
        %parallel_loop3A_427 = arith.constant 16 : i32
        %parallel_loop3A_428 = arith.muli %parallel_loop3A_407, %parallel_loop3A_427 : i32
        %parallel_loop3A_429 = arith.index_cast %parallel_loop3A_428 : i32 to index
        %parallel_loop3A_430 = tpu.vector_load %arg5[%parallel_loop3A_429] {strides = array<i32>} : memref<32768xi32, #tpu.memory_space<vmem>>, vector<16xi32>,
        tpu.vector_store %arg5[%parallel_loop3A_429], %parallel_loop3A_426 {strides = array<i32>} : memref<32768xi32, #tpu.memory_space<vmem>>, vector<16xi32>,
        %parallel_loop3A_431 = arith.constant 20 : i32
        %parallel_loop3A_432 = vector.broadcast %parallel_loop3A_431 : i32 to vector<16xi32>
        %parallel_loop3A_433 = arith.shrsi %parallel_loop3A_426, %parallel_loop3A_432 : vector<16xi32>
        tpu.vector_store_idx %arg8[%parallel_loop3A_433], %broadcast_in_dim3A_5 masked %parallel_loop3A_423 {add = true} : memref<1024xi32, #tpu.memory_space<vmem>>[vector<16xi32>], vector<16xi32>, vector<16xi1>
      } {sc.loop_unroll_factor = 16 : i64, sc.parallel_access}
      %sub3A = arith.subi %reduce_sum3A_266, %max3A_114 : i32
      %scan3A_269 = arith.constant 0 : i32
      %scan3A_270 = arith.constant 0 : i32
      %scan3A_271 = arith.constant 64 : i32
      %scan3A_272 = arith.addi %scan3A_270, %scan3A_271 : i32
      %scan3A_273 = arith.constant 1 : i32
      %scan3A_274:2 = scf.for %scan3A_407 = %scan3A_270 to %scan3A_272 step %scan3A_273 iter_args(%scan3A_408 = %scan3A_269, %scan3A_409 = %broadcast_in_dim3A_7) -> (i32, vector<16xi32>)  : i32 {
        %mul3A_410 = arith.constant 16 : i32
        %mul3A_411 = arith.muli %scan3A_407, %mul3A_410 : i32
        %get3A_412 = arith.index_cast %mul3A_411 : i32 to index
        %get3A_413 = tpu.vector_load %arg8[%get3A_412] {strides = array<i32>} : memref<1024xi32, #tpu.memory_space<vmem>>, vector<16xi32>,
        %broadcast_in_dim3A_414 = arith.constant true
        %broadcast_in_dim3A_415 = vector.broadcast %broadcast_in_dim3A_414 : i1 to vector<16xi1>
        %masked_cumsum3A = tpu.scan <sum>, %get3A_413 masked %broadcast_in_dim3A_415 : vector<16xi32>, vector<16xi1> -> vector<16xi32>
        %add3A_416 = vector.broadcast %scan3A_408 : i32 to vector<16xi32>
        %add3A_417 = arith.addi %masked_cumsum3A, %add3A_416 : vector<16xi32>
        %le3A = vector.broadcast %sub3A : i32 to vector<16xi32>
        %le3A_418 = arith.cmpi sle, %add3A_417, %le3A : vector<16xi32>
        %jit3A_419 = arith.constant 1 : i32
        %jit3A_420 = arith.constant 0 : i32
        %broadcast_in_dim3A_421 = vector.broadcast %jit3A_419 : i32 to vector<16xi32>
        %broadcast_in_dim3A_422 = vector.broadcast %jit3A_420 : i32 to vector<16xi32>
        %select_n3A_423 = arith.select %le3A_418, %broadcast_in_dim3A_421, %broadcast_in_dim3A_422 : vector<16xi1>, vector<16xi32>
        %add3A_424 = arith.addi %scan3A_409, %select_n3A_423 : vector<16xi32>
        %reduce_max3A_425 = arith.constant true
        %reduce_max3A_426 = vector.broadcast %reduce_max3A_425 : i1 to vector<16xi1>
        %reduce_max3A_427 = arith.constant -2147483648 : i32
        %reduce_max3A_428 = vector.broadcast %reduce_max3A_427 : i32 to vector<16xi32>
        %reduce_max3A_429 = arith.xori %add3A_417, %reduce_max3A_428 : vector<16xi32>
        %reduce_max3A_430 = tpu.scan <max>, %reduce_max3A_429 masked %reduce_max3A_426 : vector<16xi32>, vector<16xi1> -> vector<16xi32>
        %reduce_max3A_431 = arith.xori %reduce_max3A_430, %reduce_max3A_428 : vector<16xi32>
        %reduce_max3A_432 = vector.extract %reduce_max3A_431[15] : i32 from vector<16xi32>
        scf.yield %reduce_max3A_432, %add3A_424 : i32, vector<16xi32>
      }
      %scan3A_275 = arith.constant 64 : i32
      %reduce_sum3A_276 = arith.constant true
      %reduce_sum3A_277 = vector.broadcast %reduce_sum3A_276 : i1 to vector<16xi1>
      %reduce_sum3A_278 = tpu.scan <sum>, %scan3A_274#1 masked %reduce_sum3A_277 : vector<16xi32>, vector<16xi1> -> vector<16xi32>
      %reduce_sum3A_279 = vector.extract %reduce_sum3A_278[15] : i32 from vector<16xi32>
      %mul3A_280 = arith.constant 0 : i32
      %mul3A_281 = vector.broadcast %mul3A_280 : i32 to vector<16xi32>
      %mul3A_282 = arith.muli %iota3A, %mul3A_281 : vector<16xi32>
      %add3A_283 = vector.broadcast %reduce_sum3A_279 : i32 to vector<16xi32>
      %add3A_284 = arith.addi %mul3A_282, %add3A_283 : vector<16xi32>
      %gather3A = tpu.vector_load_idx %arg8[%add3A_284] : memref<1024xi32, #tpu.memory_space<vmem>>[vector<16xi32>], vector<16xi32>,
      %reduce_max3A = arith.constant true
      %reduce_max3A_285 = vector.broadcast %reduce_max3A : i1 to vector<16xi1>
      %reduce_max3A_286 = arith.constant -2147483648 : i32
      %reduce_max3A_287 = vector.broadcast %reduce_max3A_286 : i32 to vector<16xi32>
      %reduce_max3A_288 = arith.xori %gather3A, %reduce_max3A_287 : vector<16xi32>
      %reduce_max3A_289 = tpu.scan <max>, %reduce_max3A_288 masked %reduce_max3A_285 : vector<16xi32>, vector<16xi1> -> vector<16xi32>
      %reduce_max3A_290 = arith.xori %reduce_max3A_289, %reduce_max3A_287 : vector<16xi32>
      %reduce_max3A_291 = vector.extract %reduce_max3A_290[15] : i32 from vector<16xi32>
      %scan3A_292 = arith.constant 0 : i32
      %scan3A_293 = arith.constant 64 : i32
      %scan3A_294 = arith.addi %scan3A_292, %scan3A_293 : i32
      %scan3A_295 = arith.constant 1 : i32
      %scan3A_296 = scf.for %scan3A_407 = %scan3A_292 to %scan3A_294 step %scan3A_295 iter_args(%scan3A_408 = %broadcast_in_dim3A_7) -> (vector<16xi32>)  : i32 {
        %mul3A_409 = arith.constant 16 : i32
        %mul3A_410 = arith.muli %scan3A_407, %mul3A_409 : i32
        %get3A_411 = arith.index_cast %mul3A_410 : i32 to index
        %get3A_412 = tpu.vector_load %arg8[%get3A_411] {strides = array<i32>} : memref<1024xi32, #tpu.memory_space<vmem>>, vector<16xi32>,
        %swap3A_413 = arith.index_cast %mul3A_410 : i32 to index
        %swap3A_414 = tpu.vector_load %arg8[%swap3A_413] {strides = array<i32>} : memref<1024xi32, #tpu.memory_space<vmem>>, vector<16xi32>,
        tpu.vector_store %arg8[%swap3A_413], %broadcast_in_dim3A_7 {strides = array<i32>} : memref<1024xi32, #tpu.memory_space<vmem>>, vector<16xi32>,
        %mul3A_415 = arith.constant 16 : i32
        %mul3A_416 = arith.muli %scan3A_407, %mul3A_415 : i32
        %add3A_417 = vector.broadcast %mul3A_416 : i32 to vector<16xi32>
        %add3A_418 = arith.addi %iota3A, %add3A_417 : vector<16xi32>
        %gt3A = vector.broadcast %reduce_sum3A_279 : i32 to vector<16xi32>
        %gt3A_419 = arith.cmpi sgt, %add3A_418, %gt3A : vector<16xi32>
        %jit3A_420 = arith.constant 0 : i32
        %broadcast_in_dim3A_421 = vector.broadcast %jit3A_420 : i32 to vector<16xi32>
        %select_n3A_422 = arith.select %gt3A_419, %get3A_412, %broadcast_in_dim3A_421 : vector<16xi1>, vector<16xi32>
        %add3A_423 = arith.addi %scan3A_408, %select_n3A_422 : vector<16xi32>
        scf.yield %add3A_423 : vector<16xi32>
      }
      %scan3A_297 = arith.constant 64 : i32
      %reduce_sum3A_298 = arith.constant true
      %reduce_sum3A_299 = vector.broadcast %reduce_sum3A_298 : i1 to vector<16xi1>
      %reduce_sum3A_300 = tpu.scan <sum>, %scan3A_296 masked %reduce_sum3A_299 : vector<16xi32>, vector<16xi1> -> vector<16xi32>
      %reduce_sum3A_301 = vector.extract %reduce_sum3A_300[15] : i32 from vector<16xi32>
      %sub3A_302 = arith.subi %max3A_114, %reduce_sum3A_301 : i32
      %max3A_303 = arith.constant 1 : i32
      %max3A_304 = arith.maxsi %max3A_303, %sub3A_302 : i32
      %parallel_loop3A_305 = arith.constant 0 : i32
      %parallel_loop3A_306 = arith.constant 2048 : i32
      %parallel_loop3A_307 = arith.constant 1 : i32
      scf.for %parallel_loop3A_407 = %parallel_loop3A_305 to %parallel_loop3A_306 step %parallel_loop3A_307  : i32 {
        %parallel_loop3A_408 = arith.constant 16 : i32
        %parallel_loop3A_409 = arith.muli %parallel_loop3A_407, %parallel_loop3A_408 : i32
        %parallel_loop3A_410 = arith.index_cast %parallel_loop3A_409 : i32 to index
        %parallel_loop3A_411 = tpu.vector_load %arg5[%parallel_loop3A_410] {strides = array<i32>} : memref<32768xi32, #tpu.memory_space<vmem>>, vector<16xi32>,
        %parallel_loop3A_412 = arith.constant 10 : i32
        %parallel_loop3A_413 = vector.broadcast %parallel_loop3A_412 : i32 to vector<16xi32>
        %parallel_loop3A_414 = arith.shrsi %parallel_loop3A_411, %parallel_loop3A_413 : vector<16xi32>
        %parallel_loop3A_415 = arith.constant 1023 : i32
        %parallel_loop3A_416 = vector.broadcast %parallel_loop3A_415 : i32 to vector<16xi32>
        %parallel_loop3A_417 = arith.andi %parallel_loop3A_414, %parallel_loop3A_416 : vector<16xi32>
        %parallel_loop3A_418 = arith.constant 20 : i32
        %parallel_loop3A_419 = vector.broadcast %parallel_loop3A_418 : i32 to vector<16xi32>
        %parallel_loop3A_420 = arith.shrsi %parallel_loop3A_411, %parallel_loop3A_419 : vector<16xi32>
        %parallel_loop3A_421 = vector.broadcast %reduce_sum3A_279 : i32 to vector<16xi32>
        %parallel_loop3A_422 = arith.cmpi eq, %parallel_loop3A_420, %parallel_loop3A_421 : vector<16xi32>
        tpu.vector_store_idx %arg8[%parallel_loop3A_417], %broadcast_in_dim3A_5 masked %parallel_loop3A_422 {add = true} : memref<1024xi32, #tpu.memory_space<vmem>>[vector<16xi32>], vector<16xi32>, vector<16xi1>
      } {sc.loop_unroll_factor = 16 : i64, sc.parallel_access}
      %sub3A_308 = arith.subi %reduce_max3A_291, %max3A_304 : i32
      %scan3A_309 = arith.constant 0 : i32
      %scan3A_310 = arith.constant 0 : i32
      %scan3A_311 = arith.constant 64 : i32
      %scan3A_312 = arith.addi %scan3A_310, %scan3A_311 : i32
      %scan3A_313 = arith.constant 1 : i32
      %scan3A_314:2 = scf.for %scan3A_407 = %scan3A_310 to %scan3A_312 step %scan3A_313 iter_args(%scan3A_408 = %scan3A_309, %scan3A_409 = %broadcast_in_dim3A_7) -> (i32, vector<16xi32>)  : i32 {
        %mul3A_410 = arith.constant 16 : i32
        %mul3A_411 = arith.muli %scan3A_407, %mul3A_410 : i32
        %get3A_412 = arith.index_cast %mul3A_411 : i32 to index
        %get3A_413 = tpu.vector_load %arg8[%get3A_412] {strides = array<i32>} : memref<1024xi32, #tpu.memory_space<vmem>>, vector<16xi32>,
        %broadcast_in_dim3A_414 = arith.constant true
        %broadcast_in_dim3A_415 = vector.broadcast %broadcast_in_dim3A_414 : i1 to vector<16xi1>
        %masked_cumsum3A = tpu.scan <sum>, %get3A_413 masked %broadcast_in_dim3A_415 : vector<16xi32>, vector<16xi1> -> vector<16xi32>
        %add3A_416 = vector.broadcast %scan3A_408 : i32 to vector<16xi32>
        %add3A_417 = arith.addi %masked_cumsum3A, %add3A_416 : vector<16xi32>
        %le3A = vector.broadcast %sub3A_308 : i32 to vector<16xi32>
        %le3A_418 = arith.cmpi sle, %add3A_417, %le3A : vector<16xi32>
        %jit3A_419 = arith.constant 1 : i32
        %jit3A_420 = arith.constant 0 : i32
        %broadcast_in_dim3A_421 = vector.broadcast %jit3A_419 : i32 to vector<16xi32>
        %broadcast_in_dim3A_422 = vector.broadcast %jit3A_420 : i32 to vector<16xi32>
        %select_n3A_423 = arith.select %le3A_418, %broadcast_in_dim3A_421, %broadcast_in_dim3A_422 : vector<16xi1>, vector<16xi32>
        %add3A_424 = arith.addi %scan3A_409, %select_n3A_423 : vector<16xi32>
        %reduce_max3A_425 = arith.constant true
        %reduce_max3A_426 = vector.broadcast %reduce_max3A_425 : i1 to vector<16xi1>
        %reduce_max3A_427 = arith.constant -2147483648 : i32
        %reduce_max3A_428 = vector.broadcast %reduce_max3A_427 : i32 to vector<16xi32>
        %reduce_max3A_429 = arith.xori %add3A_417, %reduce_max3A_428 : vector<16xi32>
        %reduce_max3A_430 = tpu.scan <max>, %reduce_max3A_429 masked %reduce_max3A_426 : vector<16xi32>, vector<16xi1> -> vector<16xi32>
        %reduce_max3A_431 = arith.xori %reduce_max3A_430, %reduce_max3A_428 : vector<16xi32>
        %reduce_max3A_432 = vector.extract %reduce_max3A_431[15] : i32 from vector<16xi32>
        scf.yield %reduce_max3A_432, %add3A_424 : i32, vector<16xi32>
      }
      %scan3A_315 = arith.constant 64 : i32
      %reduce_sum3A_316 = arith.constant true
      %reduce_sum3A_317 = vector.broadcast %reduce_sum3A_316 : i1 to vector<16xi1>
      %reduce_sum3A_318 = tpu.scan <sum>, %scan3A_314#1 masked %reduce_sum3A_317 : vector<16xi32>, vector<16xi1> -> vector<16xi32>
      %reduce_sum3A_319 = vector.extract %reduce_sum3A_318[15] : i32 from vector<16xi32>
      %mul3A_320 = arith.constant 0 : i32
      %mul3A_321 = vector.broadcast %mul3A_320 : i32 to vector<16xi32>
      %mul3A_322 = arith.muli %iota3A, %mul3A_321 : vector<16xi32>
      %add3A_323 = vector.broadcast %reduce_sum3A_319 : i32 to vector<16xi32>
      %add3A_324 = arith.addi %mul3A_322, %add3A_323 : vector<16xi32>
      %gather3A_325 = tpu.vector_load_idx %arg8[%add3A_324] : memref<1024xi32, #tpu.memory_space<vmem>>[vector<16xi32>], vector<16xi32>,
      %reduce_max3A_326 = arith.constant true
      %reduce_max3A_327 = vector.broadcast %reduce_max3A_326 : i1 to vector<16xi1>
      %reduce_max3A_328 = arith.constant -2147483648 : i32
      %reduce_max3A_329 = vector.broadcast %reduce_max3A_328 : i32 to vector<16xi32>
      %reduce_max3A_330 = arith.xori %gather3A_325, %reduce_max3A_329 : vector<16xi32>
      %reduce_max3A_331 = tpu.scan <max>, %reduce_max3A_330 masked %reduce_max3A_327 : vector<16xi32>, vector<16xi1> -> vector<16xi32>
      %reduce_max3A_332 = arith.xori %reduce_max3A_331, %reduce_max3A_329 : vector<16xi32>
      %reduce_max3A_333 = vector.extract %reduce_max3A_332[15] : i32 from vector<16xi32>
      %scan3A_334 = arith.constant 0 : i32
      %scan3A_335 = arith.constant 64 : i32
      %scan3A_336 = arith.addi %scan3A_334, %scan3A_335 : i32
      %scan3A_337 = arith.constant 1 : i32
      %scan3A_338 = scf.for %scan3A_407 = %scan3A_334 to %scan3A_336 step %scan3A_337 iter_args(%scan3A_408 = %broadcast_in_dim3A_7) -> (vector<16xi32>)  : i32 {
        %mul3A_409 = arith.constant 16 : i32
        %mul3A_410 = arith.muli %scan3A_407, %mul3A_409 : i32
        %get3A_411 = arith.index_cast %mul3A_410 : i32 to index
        %get3A_412 = tpu.vector_load %arg8[%get3A_411] {strides = array<i32>} : memref<1024xi32, #tpu.memory_space<vmem>>, vector<16xi32>,
        %swap3A_413 = arith.index_cast %mul3A_410 : i32 to index
        %swap3A_414 = tpu.vector_load %arg8[%swap3A_413] {strides = array<i32>} : memref<1024xi32, #tpu.memory_space<vmem>>, vector<16xi32>,
        tpu.vector_store %arg8[%swap3A_413], %broadcast_in_dim3A_7 {strides = array<i32>} : memref<1024xi32, #tpu.memory_space<vmem>>, vector<16xi32>,
        %mul3A_415 = arith.constant 16 : i32
        %mul3A_416 = arith.muli %scan3A_407, %mul3A_415 : i32
        %add3A_417 = vector.broadcast %mul3A_416 : i32 to vector<16xi32>
        %add3A_418 = arith.addi %iota3A, %add3A_417 : vector<16xi32>
        %gt3A = vector.broadcast %reduce_sum3A_319 : i32 to vector<16xi32>
        %gt3A_419 = arith.cmpi sgt, %add3A_418, %gt3A : vector<16xi32>
        %jit3A_420 = arith.constant 0 : i32
        %broadcast_in_dim3A_421 = vector.broadcast %jit3A_420 : i32 to vector<16xi32>
        %select_n3A_422 = arith.select %gt3A_419, %get3A_412, %broadcast_in_dim3A_421 : vector<16xi1>, vector<16xi32>
        %add3A_423 = arith.addi %scan3A_408, %select_n3A_422 : vector<16xi32>
        scf.yield %add3A_423 : vector<16xi32>
      }
      %scan3A_339 = arith.constant 64 : i32
      %reduce_sum3A_340 = arith.constant true
      %reduce_sum3A_341 = vector.broadcast %reduce_sum3A_340 : i1 to vector<16xi1>
      %reduce_sum3A_342 = tpu.scan <sum>, %scan3A_338 masked %reduce_sum3A_341 : vector<16xi32>, vector<16xi1> -> vector<16xi32>
      %reduce_sum3A_343 = vector.extract %reduce_sum3A_342[15] : i32 from vector<16xi32>
      %sub3A_344 = arith.subi %max3A_304, %reduce_sum3A_343 : i32
      %max3A_345 = arith.constant 1 : i32
      %max3A_346 = arith.maxsi %max3A_345, %sub3A_344 : i32
      %mul3A_347 = arith.constant 1024 : i32
      %mul3A_348 = arith.muli %reduce_sum3A_279, %mul3A_347 : i32
      %add3A_349 = arith.addi %mul3A_348, %reduce_sum3A_319 : i32
      %parallel_loop3A_350 = arith.constant 0 : i32
      %parallel_loop3A_351 = arith.constant 2048 : i32
      %parallel_loop3A_352 = arith.constant 1 : i32
      scf.for %parallel_loop3A_407 = %parallel_loop3A_350 to %parallel_loop3A_351 step %parallel_loop3A_352  : i32 {
        %parallel_loop3A_408 = arith.constant 16 : i32
        %parallel_loop3A_409 = arith.muli %parallel_loop3A_407, %parallel_loop3A_408 : i32
        %parallel_loop3A_410 = arith.index_cast %parallel_loop3A_409 : i32 to index
        %parallel_loop3A_411 = tpu.vector_load %arg5[%parallel_loop3A_410] {strides = array<i32>} : memref<32768xi32, #tpu.memory_space<vmem>>, vector<16xi32>,
        %parallel_loop3A_412 = arith.constant 1023 : i32
        %parallel_loop3A_413 = vector.broadcast %parallel_loop3A_412 : i32 to vector<16xi32>
        %parallel_loop3A_414 = arith.andi %parallel_loop3A_411, %parallel_loop3A_413 : vector<16xi32>
        %parallel_loop3A_415 = arith.constant 10 : i32
        %parallel_loop3A_416 = vector.broadcast %parallel_loop3A_415 : i32 to vector<16xi32>
        %parallel_loop3A_417 = arith.shrsi %parallel_loop3A_411, %parallel_loop3A_416 : vector<16xi32>
        %parallel_loop3A_418 = vector.broadcast %add3A_349 : i32 to vector<16xi32>
        %parallel_loop3A_419 = arith.cmpi eq, %parallel_loop3A_417, %parallel_loop3A_418 : vector<16xi32>
        tpu.vector_store_idx %arg8[%parallel_loop3A_414], %broadcast_in_dim3A_5 masked %parallel_loop3A_419 {add = true} : memref<1024xi32, #tpu.memory_space<vmem>>[vector<16xi32>], vector<16xi32>, vector<16xi1>
      } {sc.loop_unroll_factor = 16 : i64, sc.parallel_access}
      %sub3A_353 = arith.subi %reduce_max3A_333, %max3A_346 : i32
      %scan3A_354 = arith.constant 0 : i32
      %scan3A_355 = arith.constant 0 : i32
      %scan3A_356 = arith.constant 64 : i32
      %scan3A_357 = arith.addi %scan3A_355, %scan3A_356 : i32
      %scan3A_358 = arith.constant 1 : i32
      %scan3A_359:2 = scf.for %scan3A_407 = %scan3A_355 to %scan3A_357 step %scan3A_358 iter_args(%scan3A_408 = %scan3A_354, %scan3A_409 = %broadcast_in_dim3A_7) -> (i32, vector<16xi32>)  : i32 {
        %mul3A_410 = arith.constant 16 : i32
        %mul3A_411 = arith.muli %scan3A_407, %mul3A_410 : i32
        %get3A_412 = arith.index_cast %mul3A_411 : i32 to index
        %get3A_413 = tpu.vector_load %arg8[%get3A_412] {strides = array<i32>} : memref<1024xi32, #tpu.memory_space<vmem>>, vector<16xi32>,
        %broadcast_in_dim3A_414 = arith.constant true
        %broadcast_in_dim3A_415 = vector.broadcast %broadcast_in_dim3A_414 : i1 to vector<16xi1>
        %masked_cumsum3A = tpu.scan <sum>, %get3A_413 masked %broadcast_in_dim3A_415 : vector<16xi32>, vector<16xi1> -> vector<16xi32>
        %add3A_416 = vector.broadcast %scan3A_408 : i32 to vector<16xi32>
        %add3A_417 = arith.addi %masked_cumsum3A, %add3A_416 : vector<16xi32>
        %le3A = vector.broadcast %sub3A_353 : i32 to vector<16xi32>
        %le3A_418 = arith.cmpi sle, %add3A_417, %le3A : vector<16xi32>
        %jit3A_419 = arith.constant 1 : i32
        %jit3A_420 = arith.constant 0 : i32
        %broadcast_in_dim3A_421 = vector.broadcast %jit3A_419 : i32 to vector<16xi32>
        %broadcast_in_dim3A_422 = vector.broadcast %jit3A_420 : i32 to vector<16xi32>
        %select_n3A_423 = arith.select %le3A_418, %broadcast_in_dim3A_421, %broadcast_in_dim3A_422 : vector<16xi1>, vector<16xi32>
        %add3A_424 = arith.addi %scan3A_409, %select_n3A_423 : vector<16xi32>
        %reduce_max3A_425 = arith.constant true
        %reduce_max3A_426 = vector.broadcast %reduce_max3A_425 : i1 to vector<16xi1>
        %reduce_max3A_427 = arith.constant -2147483648 : i32
        %reduce_max3A_428 = vector.broadcast %reduce_max3A_427 : i32 to vector<16xi32>
        %reduce_max3A_429 = arith.xori %add3A_417, %reduce_max3A_428 : vector<16xi32>
        %reduce_max3A_430 = tpu.scan <max>, %reduce_max3A_429 masked %reduce_max3A_426 : vector<16xi32>, vector<16xi1> -> vector<16xi32>
        %reduce_max3A_431 = arith.xori %reduce_max3A_430, %reduce_max3A_428 : vector<16xi32>
        %reduce_max3A_432 = vector.extract %reduce_max3A_431[15] : i32 from vector<16xi32>
        scf.yield %reduce_max3A_432, %add3A_424 : i32, vector<16xi32>
      }
      %scan3A_360 = arith.constant 64 : i32
      %reduce_sum3A_361 = arith.constant true
      %reduce_sum3A_362 = vector.broadcast %reduce_sum3A_361 : i1 to vector<16xi1>
      %reduce_sum3A_363 = tpu.scan <sum>, %scan3A_359#1 masked %reduce_sum3A_362 : vector<16xi32>, vector<16xi1> -> vector<16xi32>
      %reduce_sum3A_364 = vector.extract %reduce_sum3A_363[15] : i32 from vector<16xi32>
      %mul3A_365 = arith.constant 0 : i32
      %mul3A_366 = vector.broadcast %mul3A_365 : i32 to vector<16xi32>
      %mul3A_367 = arith.muli %iota3A, %mul3A_366 : vector<16xi32>
      %add3A_368 = vector.broadcast %reduce_sum3A_364 : i32 to vector<16xi32>
      %add3A_369 = arith.addi %mul3A_367, %add3A_368 : vector<16xi32>
      %gather3A_370 = tpu.vector_load_idx %arg8[%add3A_369] : memref<1024xi32, #tpu.memory_space<vmem>>[vector<16xi32>], vector<16xi32>,
      %reduce_max3A_371 = arith.constant true
      %reduce_max3A_372 = vector.broadcast %reduce_max3A_371 : i1 to vector<16xi1>
      %reduce_max3A_373 = arith.constant -2147483648 : i32
      %reduce_max3A_374 = vector.broadcast %reduce_max3A_373 : i32 to vector<16xi32>
      %reduce_max3A_375 = arith.xori %gather3A_370, %reduce_max3A_374 : vector<16xi32>
      %reduce_max3A_376 = tpu.scan <max>, %reduce_max3A_375 masked %reduce_max3A_372 : vector<16xi32>, vector<16xi1> -> vector<16xi32>
      %reduce_max3A_377 = arith.xori %reduce_max3A_376, %reduce_max3A_374 : vector<16xi32>
      %reduce_max3A_378 = vector.extract %reduce_max3A_377[15] : i32 from vector<16xi32>
      %scan3A_379 = arith.constant 0 : i32
      %scan3A_380 = arith.constant 64 : i32
      %scan3A_381 = arith.addi %scan3A_379, %scan3A_380 : i32
      %scan3A_382 = arith.constant 1 : i32
      %scan3A_383 = scf.for %scan3A_407 = %scan3A_379 to %scan3A_381 step %scan3A_382 iter_args(%scan3A_408 = %broadcast_in_dim3A_7) -> (vector<16xi32>)  : i32 {
        %mul3A_409 = arith.constant 16 : i32
        %mul3A_410 = arith.muli %scan3A_407, %mul3A_409 : i32
        %get3A_411 = arith.index_cast %mul3A_410 : i32 to index
        %get3A_412 = tpu.vector_load %arg8[%get3A_411] {strides = array<i32>} : memref<1024xi32, #tpu.memory_space<vmem>>, vector<16xi32>,
        %swap3A_413 = arith.index_cast %mul3A_410 : i32 to index
        %swap3A_414 = tpu.vector_load %arg8[%swap3A_413] {strides = array<i32>} : memref<1024xi32, #tpu.memory_space<vmem>>, vector<16xi32>,
        tpu.vector_store %arg8[%swap3A_413], %broadcast_in_dim3A_7 {strides = array<i32>} : memref<1024xi32, #tpu.memory_space<vmem>>, vector<16xi32>,
        %mul3A_415 = arith.constant 16 : i32
        %mul3A_416 = arith.muli %scan3A_407, %mul3A_415 : i32
        %add3A_417 = vector.broadcast %mul3A_416 : i32 to vector<16xi32>
        %add3A_418 = arith.addi %iota3A, %add3A_417 : vector<16xi32>
        %gt3A = vector.broadcast %reduce_sum3A_364 : i32 to vector<16xi32>
        %gt3A_419 = arith.cmpi sgt, %add3A_418, %gt3A : vector<16xi32>
        %jit3A_420 = arith.constant 0 : i32
        %broadcast_in_dim3A_421 = vector.broadcast %jit3A_420 : i32 to vector<16xi32>
        %select_n3A_422 = arith.select %gt3A_419, %get3A_412, %broadcast_in_dim3A_421 : vector<16xi1>, vector<16xi32>
        %add3A_423 = arith.addi %scan3A_408, %select_n3A_422 : vector<16xi32>
        scf.yield %add3A_423 : vector<16xi32>
      }
      %scan3A_384 = arith.constant 64 : i32
      %reduce_sum3A_385 = arith.constant true
      %reduce_sum3A_386 = vector.broadcast %reduce_sum3A_385 : i1 to vector<16xi1>
      %reduce_sum3A_387 = tpu.scan <sum>, %scan3A_383 masked %reduce_sum3A_386 : vector<16xi32>, vector<16xi1> -> vector<16xi32>
      %reduce_sum3A_388 = vector.extract %reduce_sum3A_387[15] : i32 from vector<16xi32>
      %sub3A_389 = arith.subi %max3A_346, %reduce_sum3A_388 : i32
      %max3A_390 = arith.constant 1 : i32
      %max3A_391 = arith.maxsi %max3A_390, %sub3A_389 : i32
      %mul3A_392 = arith.constant 1024 : i32
      %mul3A_393 = arith.muli %add3A_349, %mul3A_392 : i32
      %add3A_394 = arith.addi %mul3A_393, %reduce_sum3A_364 : i32
      %eq3A_395 = arith.constant 0 : i32
      %eq3A_396 = arith.cmpi eq, %reduce_min3A_113, %eq3A_395 : i32
      %jit3A_397 = arith.constant 2147483647 : i32
      %select_n3A_398 = arith.select %eq3A_396, %jit3A_397, %add3A_394 : i32
      %ge3A = arith.cmpi sge, %max3A_391, %reduce_max3A_378 : i32
      %eq3A_399 = arith.constant 0 : i32
      %eq3A_400 = arith.cmpi eq, %reduce_min3A_113, %eq3A_399 : i32
      %or3A = arith.ori %ge3A, %eq3A_400 : i1
      %convert_element_type3A = arith.extui %or3A : i1 to i32
      %cond3A = arith.constant 0 : i32
      %cond3A_401 = arith.cmpi ne, %convert_element_type3A, %cond3A : i32
      scf.if %cond3A_401 {
        %parallel_loop3A_407 = arith.constant 0 : i32
        %parallel_loop3A_408 = arith.constant 2048 : i32
        %parallel_loop3A_409 = arith.constant 1 : i32
        scf.for %parallel_loop3A_410 = %parallel_loop3A_407 to %parallel_loop3A_408 step %parallel_loop3A_409  : i32 {
          %parallel_loop3A_411 = arith.constant 16 : i32
          %parallel_loop3A_412 = arith.muli %parallel_loop3A_410, %parallel_loop3A_411 : i32
          %parallel_loop3A_413 = arith.index_cast %parallel_loop3A_412 : i32 to index
          %parallel_loop3A_414 = tpu.vector_load %arg5[%parallel_loop3A_413] {strides = array<i32>} : memref<32768xi32, #tpu.memory_space<vmem>>, vector<16xi32>,
          %parallel_loop3A_415 = vector.broadcast %select_n3A_398 : i32 to vector<16xi32>
          %parallel_loop3A_416 = arith.cmpi sge, %parallel_loop3A_414, %parallel_loop3A_415 : vector<16xi32>
          %parallel_loop3A_417 = arith.constant 1 : i32
          %parallel_loop3A_418 = arith.constant 0 : i32
          %parallel_loop3A_419 = vector.broadcast %parallel_loop3A_417 : i32 to vector<16xi32>
          %parallel_loop3A_420 = vector.broadcast %parallel_loop3A_418 : i32 to vector<16xi32>
          %parallel_loop3A_421 = arith.select %parallel_loop3A_416, %parallel_loop3A_419, %parallel_loop3A_420 : vector<16xi1>, vector<16xi32>
          %parallel_loop3A_422 = arith.constant 16 : i32
          %parallel_loop3A_423 = arith.muli %parallel_loop3A_410, %parallel_loop3A_422 : i32
          %parallel_loop3A_424 = arith.index_cast %parallel_loop3A_423 : i32 to index
          %parallel_loop3A_425 = tpu.vector_load %arg6[%parallel_loop3A_424] {strides = array<i32>} : memref<32768xi32, #tpu.memory_space<vmem>>, vector<16xi32>,
          tpu.vector_store %arg6[%parallel_loop3A_424], %parallel_loop3A_421 {strides = array<i32>} : memref<32768xi32, #tpu.memory_space<vmem>>, vector<16xi32>,
        } {sc.loop_unroll_factor = 16 : i64, sc.parallel_access}
      } else {
      }
      %not3A = arith.constant true
      %not3A_402 = arith.xori %or3A, %not3A : i1
      %convert_element_type3A_403 = arith.extui %not3A_402 : i1 to i32
      %cond3A_404 = arith.constant 0 : i32
      %cond3A_405 = arith.cmpi ne, %convert_element_type3A_403, %cond3A_404 : i32
      scf.if %cond3A_405 {
        %scan3A_407 = arith.constant 0 : i32
        %scan3A_408 = arith.constant 0 : i32
        %scan3A_409 = arith.constant 2048 : i32
        %scan3A_410 = arith.addi %scan3A_408, %scan3A_409 : i32
        %scan3A_411 = arith.constant 1 : i32
        %scan3A_412 = scf.for %scan3A_414 = %scan3A_408 to %scan3A_410 step %scan3A_411 iter_args(%scan3A_415 = %scan3A_407) -> (i32)  : i32 {
          %mul3A_416 = arith.constant 16 : i32
          %mul3A_417 = arith.muli %scan3A_414, %mul3A_416 : i32
          %get3A_418 = arith.index_cast %mul3A_417 : i32 to index
          %get3A_419 = tpu.vector_load %arg5[%get3A_418] {strides = array<i32>} : memref<32768xi32, #tpu.memory_space<vmem>>, vector<16xi32>,
          %eq3A_420 = vector.broadcast %add3A_394 : i32 to vector<16xi32>
          %eq3A_421 = arith.cmpi eq, %get3A_419, %eq3A_420 : vector<16xi32>
          %jit3A_422 = arith.constant 1 : i32
          %jit3A_423 = arith.constant 0 : i32
          %broadcast_in_dim3A_424 = vector.broadcast %jit3A_422 : i32 to vector<16xi32>
          %broadcast_in_dim3A_425 = vector.broadcast %jit3A_423 : i32 to vector<16xi32>
          %select_n3A_426 = arith.select %eq3A_421, %broadcast_in_dim3A_424, %broadcast_in_dim3A_425 : vector<16xi1>, vector<16xi32>
          %broadcast_in_dim3A_427 = arith.constant true
          %broadcast_in_dim3A_428 = vector.broadcast %broadcast_in_dim3A_427 : i1 to vector<16xi1>
          %masked_cumsum3A = tpu.scan <sum>, %select_n3A_426 masked %broadcast_in_dim3A_428 : vector<16xi32>, vector<16xi1> -> vector<16xi32>
          %add3A_429 = vector.broadcast %scan3A_415 : i32 to vector<16xi32>
          %add3A_430 = arith.addi %masked_cumsum3A, %add3A_429 : vector<16xi32>
          %gt3A = vector.broadcast %add3A_394 : i32 to vector<16xi32>
          %gt3A_431 = arith.cmpi sgt, %get3A_419, %gt3A : vector<16xi32>
          %le3A = vector.broadcast %max3A_391 : i32 to vector<16xi32>
          %le3A_432 = arith.cmpi sle, %add3A_430, %le3A : vector<16xi32>
          %and3A_433 = arith.andi %eq3A_421, %le3A_432 : vector<16xi1>
          %or3A_434 = arith.ori %gt3A_431, %and3A_433 : vector<16xi1>
          %jit3A_435 = arith.constant 1 : i32
          %jit3A_436 = arith.constant 0 : i32
          %broadcast_in_dim3A_437 = vector.broadcast %jit3A_435 : i32 to vector<16xi32>
          %broadcast_in_dim3A_438 = vector.broadcast %jit3A_436 : i32 to vector<16xi32>
          %select_n3A_439 = arith.select %or3A_434, %broadcast_in_dim3A_437, %broadcast_in_dim3A_438 : vector<16xi1>, vector<16xi32>
          %mul3A_440 = arith.constant 16 : i32
          %mul3A_441 = arith.muli %scan3A_414, %mul3A_440 : i32
          %swap3A_442 = arith.index_cast %mul3A_441 : i32 to index
          %swap3A_443 = tpu.vector_load %arg6[%swap3A_442] {strides = array<i32>} : memref<32768xi32, #tpu.memory_space<vmem>>, vector<16xi32>,
          tpu.vector_store %arg6[%swap3A_442], %select_n3A_439 {strides = array<i32>} : memref<32768xi32, #tpu.memory_space<vmem>>, vector<16xi32>,
          %reduce_max3A_444 = arith.constant true
          %reduce_max3A_445 = vector.broadcast %reduce_max3A_444 : i1 to vector<16xi1>
          %reduce_max3A_446 = arith.constant -2147483648 : i32
          %reduce_max3A_447 = vector.broadcast %reduce_max3A_446 : i32 to vector<16xi32>
          %reduce_max3A_448 = arith.xori %add3A_430, %reduce_max3A_447 : vector<16xi32>
          %reduce_max3A_449 = tpu.scan <max>, %reduce_max3A_448 masked %reduce_max3A_445 : vector<16xi32>, vector<16xi1> -> vector<16xi32>
          %reduce_max3A_450 = arith.xori %reduce_max3A_449, %reduce_max3A_447 : vector<16xi32>
          %reduce_max3A_451 = vector.extract %reduce_max3A_450[15] : i32 from vector<16xi32>
          scf.yield %reduce_max3A_451 : i32
        }
        %scan3A_413 = arith.constant 2048 : i32
      } else {
      }
      "tpu.region"() ({
        %run_scoped3A = tpu.sem_alloc : memref<!tpu.dma_semaphore, #tpu.memory_space<semaphore_mem>>
        %dma_start3A = arith.constant 0 : i32
        %dma_start3A_407 = tpu.memref_slice %arg4[%add3A_254, %dma_start3A] : memref<64x32768xi32, #tpu.memory_space<hbm>> -> memref<1x32768xi32, #tpu.memory_space<hbm>>
        %dma_start3A_408 = tpu.memref_squeeze %dma_start3A_407 : memref<1x32768xi32, #tpu.memory_space<hbm>> -> memref<32768xi32, #tpu.memory_space<hbm>>
        %dma_start3A_409 = arith.constant 0 : i32
        %dma_start3A_410 = tpu.memref_slice %arg4[%add3A_254, %dma_start3A_409] : memref<64x32768xi32, #tpu.memory_space<hbm>> -> memref<1x32768xi32, #tpu.memory_space<hbm>>
        %dma_start3A_411 = tpu.memref_squeeze %dma_start3A_410 : memref<1x32768xi32, #tpu.memory_space<hbm>> -> memref<32768xi32, #tpu.memory_space<hbm>>
        tpu.enqueue_dma source(%arg6 : memref<32768xi32, #tpu.memory_space<vmem>>) target(%dma_start3A_411 : memref<32768xi32, #tpu.memory_space<hbm>>) target_semaphore(%run_scoped3A : memref<!tpu.dma_semaphore, #tpu.memory_space<semaphore_mem>>)
        %dma_wait3A = arith.constant 0 : i32
        %dma_wait3A_412 = tpu.memref_slice %arg4[%add3A_254, %dma_wait3A] : memref<64x32768xi32, #tpu.memory_space<hbm>> -> memref<1x32768xi32, #tpu.memory_space<hbm>>
        %dma_wait3A_413 = tpu.memref_squeeze %dma_wait3A_412 : memref<1x32768xi32, #tpu.memory_space<hbm>> -> memref<32768xi32, #tpu.memory_space<hbm>>
        %dma_wait3A_414 = arith.constant 0 : i32
        %dma_wait3A_415 = tpu.memref_slice %arg4[%add3A_254, %dma_wait3A_414] : memref<64x32768xi32, #tpu.memory_space<hbm>> -> memref<1x32768xi32, #tpu.memory_space<hbm>>
        %dma_wait3A_416 = tpu.memref_squeeze %dma_wait3A_415 : memref<1x32768xi32, #tpu.memory_space<hbm>> -> memref<32768xi32, #tpu.memory_space<hbm>>
        tpu.wait_dma2 semaphore(%run_scoped3A : memref<!tpu.dma_semaphore, #tpu.memory_space<semaphore_mem>>) src(%arg6 : memref<32768xi32, #tpu.memory_space<vmem>>) dst(%dma_wait3A_416 : memref<32768xi32, #tpu.memory_space<hbm>>)
        tpu.yield
      }) : () -> ()
      %scan3A_406 = arith.constant 0 : i32
      scf.yield %scan3A_406 : i32
    }
    %scan3A_249 = arith.constant 2 : i32
    return
  }
}

</mosaic_0001>

<sc_bundles>
// kernel: kernel.3.cloned.1.call-start
scs
__scs_entry_jumppad:
0x0: {  	(pc) =	sbr.rel $0x88, $3  }
0x1: {  	(tag) =	ssettag $0x0;
	lr =	simm.s32 $0x1  }
0x2: {  	[smem:$0x3F9F] =	sst lr;
	_ =	strace $0xD0000000  }
0x3: {  	_ = 	snop  }
0x4: {  	_ = 	snop  }
0x5: {  	_ = 	snop  }
0x6: {  	_ = 	snop  }
0x7: {  	_ = 	snop  }
__scs_overlays_trampoline_lowered:
0x8: {  	[smem:$0x3FAE] =	sst s0  }
0x9: {  	[smem:$0x3FAF] =	sst s1  }
0xa: {  	[smem:$0x3FB0] =	sst s2  }
0xb: {  	[smem:$0x3FB1] =	sst s3  }
0xc: {  	[smem:$0x3FB2] =	sst s4  }
0xd: {  	[smem:$0x3FB3] =	sst s5  }
0xe: {  	[smem:$0x3FB4] =	sst s6  }
0xf: {  	[smem:$0x3FB5] =	sst s7  }
0x10: {  	[smem:$0x3FB6] =	sst s8  }
0x11: {  	[smem:$0x3FB7] =	sst s9;
	s0 =	simm.s32 @!p0 $0x0  }
0x12: {  	s1 =	sld [smem:$0x3F9D];
	s0 =	simm.s32 @p0 $0x1  }
0x13: {  	[smem:$0x3FB8] =	sst s0;
	s0 =	simm.s32 @!p1 $0x0  }
0x14: {  	s2 =	sld [smem:$0x3F9C];
	s0 =	simm.s32 @p1 $0x1  }
0x15: {  	[smem:$0x3FB9] =	sst s0;
	s0 =	simm.s32 @!p2 $0x0  }
0x16: {  	s3 =	sld [smem:$0x3FDB];
	s0 =	simm.s32 @p2 $0x1  }
0x17: {  	s4 =	simm.s32 $0x1BF5;
	[smem:$0x3FBB] =	sst s0  }
0x18: {  	s0 =	sld [smem:$0x3F9E];
	_ =	swait.ge [sflag:s4], $0x0  }
0x19: {  	s7 =	sld [smem:$0x3F9F]  }
0x1a: {  	s8 =	sadd.s32 $0xFFFFE003, lr  }
0x1b: {  	s9 =	sadd.s32 $0xFFFFFEF7, lr;
	s5 =	simm.s32 $0xFFFFFFFF;
	p2 =	slt.u32 s8, $0xFFFFF086  }
0x1c: {  	p1 =	slt.u32 s9, $0xF7A;
	s5 =	simm.s32 @!p2 $0x0  }
0x1d: {  	s5 =	simm.s32 @p1 $0x1;
	p0 =	seq.s32 s7, s2  }
0x1e: {  	s7 =	smul.u32 @!p0 $0xF7A, s2;
	p2 =	seq.s32 @!p0 s5, $0x0  }
0x1f: {  	s9 =	smul.u32 $0xF7A, s1;
	s8 =	simm.s32 @!p0 $0x1BF5;
	p2 =	por !p2, p0  }
0x20: {  	[sflag:s8] =	ssyncset.s32 @!p0 $0xFFFFF086;
	s6 =	sadd.s32 @!p0 s3, s7;
	s7 =	simm.s32 @!p0 $0x108  }
0x21: {  	s3 =	sadd.s32 s3, s9;
	s6 =	sadd.s32 @!p0 $0x88, s6;
	s7 =	simm.s32 @p2 $0x1082  }
0x22: {  	[simem:s7], [sflag:s8] =	dma.local @!p0 [hbm:s6], $0xF7A  }
0x23: {  	s9 =	sor.u32 $0xD0000000, s2;
	s6 =	simm.s32 $0x108;
	_ =	swait.ge @!p0 [sflag:s8], $0x0  }
0x24: {  	s3 =	sadd.s32 $0x88, s3;
	s6 =	simm.s32 @!p1 $0x1082;
	[sflag:s4] =	ssyncset.s32 $0xFFFFF086  }
0x25: {  	[simem:s6], [sflag:s4] =	dma.local [hbm:s3], $0xF7A  }
0x26: {  	[smem:$0x3F9F] =	sst s1;
	(tag) =	ssettag s2;
	_ =	strace s9  }
0x27: {  	s1 =	sld [smem:$0x3FAF]  }
0x28: {  	s2 =	sld [smem:$0x3FB0]  }
0x29: {  	s4 =	sld [smem:$0x3FB2]  }
0x2a: {  	p0 =	seq.s32 s5, $0x0;
	s5 =	sld [smem:$0x3FB3]  }
0x2b: {  	s6 =	sld [smem:$0x3FB4]  }
0x2c: {  	s7 =	sld [smem:$0x3FB5]  }
0x2d: {  	s3 =	simm.s32 $0x108;
	s8 =	sld [smem:$0x3FB6]  }
0x2e: {  	s3 =	simm.s32 @!p0 $0x1082;
	s9 =	sld [smem:$0x3FB7]  }
0x2f: {  	lr =	sadd.s32 s0, s3;
	s0 =	sld [smem:$0x3FAE]  }
0x30: {  	s3 =	sld [smem:$0x3FB1]  }
0x31: {  	[smem:$0x3FBA] =	sst s10  }
0x32: {  	s10 =	sld [smem:$0x3FB8];
	_ =	sdelay $0x3  }
0x33: {  	p0 =	seq.s32 s10, $0x1;
	s10 =	sld [smem:$0x3FBA];
	_ =	sdelay $0x3  }
0x34: {  	[smem:$0x3FBA] =	sst s10  }
0x35: {  	s10 =	sld [smem:$0x3FB9];
	_ =	sdelay $0x3  }
0x36: {  	p1 =	seq.s32 s10, $0x1;
	s10 =	sld [smem:$0x3FBA];
	_ =	sdelay $0x3  }
0x37: {  	[smem:$0x3FBA] =	sst s10  }
0x38: {  	s10 =	sld [smem:$0x3FBB]  }
0x39: {  	_ = 	snop;
	(pc) =	sbr.ind lr, $3  }
0x3a: {  	_ = 	snop  }
0x3b: {  	_ = 	snop  }
0x3c: {  	p2 =	seq.s32 s10, $0x1;
	s10 =	sld [smem:$0x3FBA]  }
0x3d: {  	_ =	shalt  }
0x3e: {  	_ =	shalt  }
0x3f: {  	_ =	shalt  }
0x40: {  	_ =	shalt  }
0x41: {  	_ =	shalt  }
0x42: {  	_ =	shalt  }
0x43: {  	_ =	shalt  }
0x44: {  	_ =	shalt  }
0x45: {  	_ =	shalt  }
0x46: {  	_ =	shalt  }
0x47: {  	_ =	shalt  }
0x48: {  	_ =	shalt  }
0x49: {  	_ =	shalt  }
0x4a: {  	_ =	shalt  }
0x4b: {  	_ =	shalt  }
0x4c: {  	_ =	shalt  }
0x4d: {  	_ =	shalt  }
0x4e: {  	_ =	shalt  }
0x4f: {  	_ =	shalt  }
0x50: {  	_ =	shalt  }
0x51: {  	_ =	shalt  }
0x52: {  	_ =	shalt  }
0x53: {  	_ =	shalt  }
0x54: {  	_ =	shalt  }
0x55: {  	_ =	shalt  }
0x56: {  	_ =	shalt  }
0x57: {  	_ =	shalt  }
0x58: {  	_ =	shalt  }
0x59: {  	_ =	shalt  }
0x5a: {  	_ =	shalt  }
0x5b: {  	_ =	shalt  }
0x5c: {  	_ =	shalt  }
0x5d: {  	_ =	shalt  }
0x5e: {  	_ =	shalt  }
0x5f: {  	_ =	shalt  }
0x60: {  	_ =	shalt  }
0x61: {  	_ =	shalt  }
0x62: {  	_ =	shalt  }
0x63: {  	_ =	shalt  }
0x64: {  	_ =	shalt  }
0x65: {  	_ =	shalt  }
0x66: {  	_ =	shalt  }
0x67: {  	_ =	shalt  }
0x68: {  	_ =	shalt  }
0x69: {  	_ =	shalt  }
0x6a: {  	_ =	shalt  }
0x6b: {  	_ =	shalt  }
0x6c: {  	_ =	shalt  }
0x6d: {  	_ =	shalt  }
0x6e: {  	_ =	shalt  }
0x6f: {  	_ =	shalt  }
0x70: {  	_ =	shalt  }
0x71: {  	_ =	shalt  }
0x72: {  	_ =	shalt  }
0x73: {  	_ =	shalt  }
0x74: {  	_ =	shalt  }
0x75: {  	_ =	shalt  }
0x76: {  	_ =	shalt  }
0x77: {  	_ =	shalt  }
0x78: {  	_ =	shalt  }
0x79: {  	_ =	shalt  }
0x7a: {  	_ =	shalt  }
0x7b: {  	_ =	shalt  }
0x7c: {  	_ =	shalt  }
0x7d: {  	_ =	shalt  }
0x7e: {  	_ =	shalt  }
0x7f: {  	_ =	shalt  }
0x80: {  	_ =	shalt  }
0x81: {  	_ =	shalt  }
0x82: {  	_ =	shalt  }
0x83: {  	_ =	shalt  }
0x84: {  	_ =	shalt  }
0x85: {  	_ =	shalt  }
0x86: {  	_ =	shalt  }
0x87: {  	_ =	shalt  }
.Lfunc_end0:
.L_simem_size_0:
called_computation_lowered:
.L_overlay_start_0:
0x88: {  	s2 =	sld [smem:$0x3FD9]  }
0x89: {  	s3 =	sld [smem:$0x3FFE];
	_ =	sdelay $0x1  }
0x8a: {  	s1 =	srdreg.scid  }
0x8b: {  	s0 =	sand.u32 $0x1, s1  }
0x8c: {  	s17 =	sshll.u32 s0, $0xA;
	s2 =	sadd.s32 s3, s2  }
0x8d: {  	s2 =	sadd.s32 s2, s17  }
0x8e: {  	[smem:$0x3FC6] =	sst s2  }
0x8f: {  	_ = 	snop  }
0x90: {  	s2 =	sld [smem:$0x3FD0];
	(tm) =	ssettm $0x1  }
0x91: {  	s18 =	sld [smem:$0x3FFB];
	_ =	sdelay $0x3  }
0x92: {  	_ =	strace s18  }
0x93: {  	s3 =	sld [smem:$0x3FFC];
	_ =	sdelay $0x3  }
0x94: {  	_ =	strace s3  }
0x95: {  	s3 =	sld [smem:$0x3FFD];
	_ =	sdelay $0x3  }
0x96: {  	_ =	strace s3  }
0x97: {  	_ =	strace $0x8FFFFFFF  }
0x98: {  	s19 =	sld [smem:$0x3FDB];
	_ =	sdelay $0x1  }
0x99: {  	s4 =	simm.s32 $_scs_section_size  }
0x9a: {  	s5 =	simm.s32 $_size__tile_overlayer_lowered;
	s6 =	simm.s32 $_tile_overlayer_lowered  }
0x9b: {  	s22 =	simm.s32 $0x1BFF;
	s21 =	sshll.u32 s6, $0x1;
	s3 =	sadd.s32 s4, s19  }
0x9c: {  	s7 =	simm.s32 $0x0;
	s20 =	sshll.u32 s5, $0x1;
	s5 =	sadd.s32 s21, s3  }
0x9d: {  	[timem:s7], [sflag:s22] =	dma.local [hbm:s5], s20  }
0x9e: {  	_ =	swait.ge [sflag:s22], s20  }
0x9f: {  	s4 =	ssub.s32 $0x0, s20;
	[sflag:s22] =	ssyncset.done $0x0  }
0xa0: {  	[sflag:s22] =	ssyncadd.s32 s4;
	_ =	sdelay $0x1  }
0xa1: {  	s23 =	simm.s32 $0x1B8B  }
0xa2: {  	_ =	swait.ge [sflag:s23], $0x1  }
0xa3: {  	[sflag:s23] =	ssyncset.done $0x0  }
0xa4: {  	s25 =	simm.s32 $0x1B8E;
	s24 =	sld [smem:$0x3FFE];
	[sflag:s23] =	ssyncadd.s32 $0xFFFFFFFF  }
0xa5: {  	s26 =	simm.s32 $execute0_lowered;
	[smem:$0x3FD2] =	sst s25  }
0xa6: {  	s5 =	sshll.u32 s26, $0x1;
	_ =	strace $0x80000046;
	[dreg:$0x1] =	wrdreg $0xFFFFFFFF  }
0xa7: {  	s28 =	simm.s32 $_size_execute0_lowered;
	s3 =	sadd.s32 s3, s5;
	[dreg:$0x0] =	wrdreg $0x0  }
0xa8: {  	s5 =	sshll.u32 s28, $0x1;
	[dreg:$0x2] =	wrdreg s3  }
0xa9: {  	[dreg:$0x3] =	wrdreg s5  }
0xaa: {  	[dreg:$0x4] =	wrdreg $0xC0  }
0xab: {  	_ =	task [dreg:s7], $0x5FFFF  }
0xac: {  	[dreg:$0x1] =	wrdreg $0xFFFFFFFF  }
0xad: {  	[dreg:$0x0] =	wrdreg $0x60  }
0xae: {  	[dreg:$0x2] =	wrdreg s24  }
0xaf: {  	[dreg:$0x3] =	wrdreg s2  }
0xb0: {  	[dreg:$0x4] =	wrdreg $0x12C800  }
0xb1: {  	[dreg:$0x5] =	wrdreg $0x9  }
0xb2: {  	_ =	task.clear_ibuf [dreg:s7], $0x6FFFF;
	_ =	strace $0x90000046  }
0xb3: {  	s29 =	simm.s32 $0x9;
	_ =	strace $0x80000048  }
0xb4: {  	_ =	swait.ge [sflag:s29], $0x1  }
0xb5: {  	[sflag:s29] =	ssyncadd.s32 $0xFFFFFFFF  }
0xb6: {  	_ =	strace $0x90000048  }
0xb7: {  	_ =	sfence  }
0xb8: {  	s30 =	sld [smem:$0x0];
	_ =	sdelay $0x2  }
0xb9: {  	s31 =	sshll.u32 s1, $0xD;
	s1 =	sshrl.u32 s1, $0x2  }
0xba: {  	s3 =	sand.u32 $0x4000, s31;
	s1 =	sadd.s32 s1, s30  }
0xbb: {  	s0 =	sor.u32 s3, s0;
	s1 =	sshll.u32 s1, $0x11  }
0xbc: {  	s0 =	sor.u32 s1, s0  }
0xbd: {  	s0 =	sadd.s32 $0x8F2B, s0  }
0xbe: {  	[sflag:s0] =	ssyncadd.remote.s32 $0x1  }
0xbf: {  	_ =	sfence.sel $0xFFFF  }
0xc0: {  	[dreg:$0x0] =	wrdreg $0xFFFFFFFF;
	(pc) =	sbr.abs _section_cstart, $3  }
0xc1: {  	[dreg:$0x1] =	wrdreg $0xFFFFFFFF  }
0xc2: {  	_ =	task.clear_ibuf [dreg:s7], $0x2FFFF;
	_ =	strace $0x9FFFFFFF  }
0xc3: {  	(tm) =	ssettm $0x7FFFFFFF  }
tec
execute0_lowered:
.L_overlay_start_1:
0x0: {  	(tag) =	ssettag $0x1  }
0x1: {  	s4 =	rddreg [dreg:$0x0]  }
0x2: {  	s1 =	rddreg [dreg:$0x1]  }
0x3: {  	s2 =	rddreg [dreg:$0x2];
	s3 =	simm.s32 $0x0;
	s5 =	srdreg.scid  }
0x4: {  	s14 =	simm.s32 $0x80;
	s15 =	simm.s32 $0x400;
	s16 =	simm.s32 $0x10000  }
0x5: {  	s17 =	simm.s32 $0x1;
	s18 =	simm.s32 $0x12400;
	s19 =	simm.s32 $0x12480  }
0x6: {  	s20 =	simm.s32 $0x12000;
	s21 =	simm.s32 $0x8000;
	s22 =	simm.s32 $0x0  }
0x7: {  	[smem:$0x7FF] =	sst s3;
	s7 =	sand.u32 $0x1, s5;
	s5 =	sadd.s32 $0xE00, s4  }
0x8: {  	s6 =	sadd.s32 $0x40E00, s4;
	s4 =	stileid.u32;
	_ =	strace $0x80000047  }
0x9: {  	s8 =	ssub.s32 $0x2, s7;
	s29 =	sshll.u32 s4, $0xC;
	s30 =	sshll.u32 s4, $0x6  }
0xa: {  	s7 =	sshll.u32 s7, $0x5;
	s10 =	sshll.u32 s4, $0x1;
	s31 =	sshll.u32 s4, $0x7  }
.Ltmp0:
0xb: {  	s9 =	sshrl.u32 s8, $0x1;
	s7 =	sor.u32 s10, s7;
	(pc) =	sbr.rel .LBB2_1-.Ltmp0, $4  }
0xc: {  	s13 =	ssub.s32 s8, s9;
	s9 =	sand.u32 $0x40, s30;
	s8 =	sand.u32 $0xE000, s29  }
0xd: {  	s11 =	sshrl.u32 s7, $0x3;
	s12 =	sshll.u32 s7, $0x5;
	s9 =	sadd.s32 s1, s9  }
0xe: {  	v0 =	vlaneseq.u32;
	v1 =	vimm.s32 $0x0;
	v3 =	vimm.s32 $0x8040201;
	s10 =	sshll.u32 s11, $0x12;
	s11 =	sshll.u32 s11, $0x10;
	s12 =	sand.u32 $0x780, s12  }
0xf: {  	v4 =	vimm.s32 $0x1;
	v2 =	vshrl.u32 v0, $0x2;
	v3 =	vunpack.c.0.s8.s32 v3;
	s13 =	smax.u32 s13, $0x1;
	s8 =	sadd.s32 s8, s9;
	s9 =	sadd.s32 s31, s2  }
.LBB2_32:
0x10: {  	s22 =	sadd.s32 $0x1, s22  }
0x11: {  	p0 =	sne.s32 s22, s13  }
.Ltmp1:
0x12: {  	_ = 	snop;
	(pc) =	sbr.rel @!p0 .LBB2_33-.Ltmp1, $1  }
0x13: {  	_ =	sdelay $0x3  }
.LBB2_1:
0x14: {  	v5 =	vimm.s32 $0x3FFFFFFF;
	s23 =	simm.s32 $0x0  }
.LBB2_2:
0x15: {  	s24 =	sshll.u32 s23, $0x4  }
0x16: {  	s24 =	sadd.s32 s24, s8  }
0x17: {  	[tilespmem:s16], [sflag:$0x1] =	stream.strided.gather [hbm4b:s24+s14], $0x2000, s15, s14, $0x38;
	[tilespmem:$0x12D00] =	vst v63  }
0x18: {  	_ =	swait.ge [sflag:s17], $0x2000  }
0x19: {  	[sflag:s17] =	ssyncset.done $0x0  }
0x1a: {  	s31 =	simm.s32 $0x10040;
	[sflag:s17] =	ssyncadd.s32 $0xFFFFE000  }
0x1b: {  	v7 =	vld [tilespmem:s31+$0x30]  }
0x1c: {  	v9 =	vld [tilespmem:s31+$0x20]  }
0x1d: {  	v11 =	vld [tilespmem:s31+$0x10]  }
0x1e: {  	v12 =	vld [tilespmem:s31+$0x0]  }
0x1f: {  	v13 =	vld [tilespmem:s31+$0xFFFFFFF0]  }
0x20: {  	v14 =	vld [tilespmem:s31+$0xFFFFFFC0]  }
0x21: {  	v15 =	vld [tilespmem:s31+$0xFFFFFFE0]  }
0x22: {  	v16 =	vimm.s32 $0x0;
	v17 =	vld [tilespmem:s31+$0xFFFFFFD0];
	v6 =	vand.u32 $0x5, v7;
	v7 =	vshrl.u32 v7, $0x1  }
0x23: {  	v10 =	vand.u32 $0x5, v11;
	v8 =	vand.u32 $0x5, v9;
	v9 =	vshrl.u32 v9, $0x1  }
0x24: {  	v18 =	vand.u32 $0x5, v12;
	v12 =	vshrl.u32 v12, $0x1;
	v19 =	vshrl.u32 v11, $0x1  }
0x25: {  	v11 =	vshrl.u32 v14, $0x1;
	v20 =	vand.u32 $0x5, v13;
	v13 =	vshrl.u32 v13, $0x1  }
0x26: {  	v14 =	vand.u32 $0x5, v14;
	v21 =	vand.u32 $0x5, v15;
	v11 =	vand.u32 $0x5, v11  }
0x27: {  	v15 =	vshrl.u32 v15, $0x1;
	v11 =	vadd.s32 v14, v11;
	v14 =	vshrl.u32 v17, $0x1  }
0x28: {  	v17 =	vand.u32 $0x5, v17;
	v22 =	vshrl.u32 v11, $0x2;
	v14 =	vand.u32 $0x5, v14  }
0x29: {  	v11 =	vand.u32 $0x3, v11;
	v14 =	vadd.s32 v17, v14;
	v16 =	vadd.s32 v16, v22  }
0x2a: {  	v15 =	vand.u32 $0x5, v15;
	v17 =	vshrl.u32 v14, $0x2;
	v11 =	vadd.s32 v11, v16  }
0x2b: {  	v15 =	vadd.s32 v21, v15;
	v14 =	vand.u32 $0x3, v14;
	v11 =	vadd.s32 v17, v11  }
0x2c: {  	v13 =	vand.u32 $0x5, v13;
	v62 =	vshrl.u32 v15, $0x2;
	v11 =	vadd.s32 v14, v11  }
0x2d: {  	v13 =	vadd.s32 v20, v13;
	v14 =	vand.u32 $0x3, v15;
	v11 =	vadd.s32 v62, v11  }
0x2e: {  	v12 =	vand.u32 $0x5, v12;
	v15 =	vshrl.u32 v13, $0x2;
	v14 =	vadd.s32 v14, v11  }
0x2f: {  	v63 =	vand.u32 $0x3, v13;
	v11 =	vadd.s32 v18, v12;
	v14 =	vadd.s32 v15, v14  }
0x30: {  	s25 =	simm.s32 $0x100C0;
	s24 =	simm.s32 $0x0;
	v13 =	vand.u32 $0x5, v19;
	v12 =	vshrl.u32 v11, $0x2;
	v14 =	vadd.s32 v63, v14  }
.LBB2_3:
0x31: {  	v15 =	vld [tilespmem:s25+$0x30];
	v11 =	vand.u32 $0x3, v11;
	v10 =	vadd.s32 v10, v13;
	v12 =	vadd.s32 v12, v14  }
0x32: {  	v9 =	vand.u32 $0x5, v9;
	v13 =	vld [tilespmem:s25+$0x20];
	v14 =	vshrl.u32 v10, $0x2;
	v11 =	vadd.s32 v11, v12  }
0x33: {  	v10 =	vand.u32 $0x3, v10;
	v8 =	vadd.s32 v8, v9;
	v12 =	vld [tilespmem:s25+$0x10];
	v9 =	vadd.s32 v14, v11  }
0x34: {  	v7 =	vand.u32 $0x5, v7;
	v14 =	vshrl.u32 v8, $0x2;
	v11 =	vld [tilespmem:s25+$0x0];
	v9 =	vadd.s32 v10, v9  }
0x35: {  	v6 =	vadd.s32 v6, v7;
	v8 =	vand.u32 $0x3, v8;
	v16 =	vld [tilespmem:s25+$0xFFFFFFF0];
	v7 =	vadd.s32 v14, v9  }
0x36: {  	s24 =	sadd.s32 $0x8, s24;
	v9 =	vshrl.u32 v6, $0x2;
	v14 =	vld [tilespmem:s25+$0xFFFFFFC0];
	v7 =	vadd.s32 v8, v7  }
0x37: {  	p0 =	slt.u32 s24, $0x1F8;
	v8 =	vand.u32 $0x3, v6;
	v17 =	vld [tilespmem:s25+$0xFFFFFFE0];
	v9 =	vadd.s32 v9, v7  }
0x38: {  	v6 =	vand.u32 $0x5, v15;
	v7 =	vshrl.u32 v15, $0x1;
	v18 =	vld [tilespmem:s25+$0xFFFFFFD0];
	v15 =	vadd.s32 v8, v9  }
0x39: {  	v10 =	vand.u32 $0x5, v12;
	v8 =	vand.u32 $0x5, v13;
	v9 =	vshrl.u32 v13, $0x1  }
0x3a: {  	v19 =	vshrl.u32 v12, $0x1;
	v13 =	vand.u32 $0x5, v11;
	v11 =	vshrl.u32 v11, $0x1  }
0x3b: {  	v20 =	vand.u32 $0x5, v16;
	v16 =	vshrl.u32 v16, $0x1;
	v12 =	vshrl.u32 v14, $0x1  }
0x3c: {  	v14 =	vand.u32 $0x5, v14;
	v12 =	vand.u32 $0x5, v12;
	v21 =	vand.u32 $0x5, v17  }
0x3d: {  	v17 =	vshrl.u32 v17, $0x1;
	v12 =	vadd.s32 v14, v12;
	v14 =	vshrl.u32 v18, $0x1  }
0x3e: {  	v18 =	vand.u32 $0x5, v18;
	v22 =	vshrl.u32 v12, $0x2;
	v14 =	vand.u32 $0x5, v14  }
0x3f: {  	v12 =	vand.u32 $0x3, v12;
	v14 =	vadd.s32 v18, v14;
	v15 =	vadd.s32 v15, v22  }
0x40: {  	v17 =	vand.u32 $0x5, v17;
	v18 =	vshrl.u32 v14, $0x2;
	v12 =	vadd.s32 v12, v15  }
0x41: {  	v14 =	vand.u32 $0x3, v14;
	v15 =	vadd.s32 v21, v17;
	v12 =	vadd.s32 v18, v12  }
.Ltmp2:
0x42: {  	v16 =	vand.u32 $0x5, v16;
	v17 =	vshrl.u32 v15, $0x2;
	v12 =	vadd.s32 v14, v12;
	(pc) =	sbr.rel @p0 .LBB2_3-.Ltmp2, $4  }
0x43: {  	v14 =	vand.u32 $0x3, v15;
	v15 =	vadd.s32 v20, v16;
	v12 =	vadd.s32 v17, v12  }
0x44: {  	v11 =	vand.u32 $0x5, v11;
	v16 =	vshrl.u32 v15, $0x2;
	v12 =	vadd.s32 v14, v12  }
0x45: {  	v11 =	vadd.s32 v13, v11;
	v14 =	vand.u32 $0x3, v15;
	v15 =	vadd.s32 v16, v12  }
0x46: {  	s25 =	sadd.s32 $0x80, s25;
	v13 =	vand.u32 $0x5, v19;
	v12 =	vshrl.u32 v11, $0x2;
	v14 =	vadd.s32 v14, v15  }
0x47: {  	v11 =	vand.u32 $0x3, v11;
	v10 =	vadd.s32 v10, v13;
	v12 =	vadd.s32 v12, v14  }
0x48: {  	v9 =	vand.u32 $0x5, v9;
	v13 =	vshrl.u32 v10, $0x2;
	v11 =	vadd.s32 v11, v12  }
0x49: {  	v10 =	vand.u32 $0x3, v10;
	v8 =	vadd.s32 v8, v9;
	v61 =	vadd.s32 v13, v11  }
0x4a: {  	v7 =	vand.u32 $0x5, v7;
	v62 =	vshrl.u32 v8, $0x2;
	v9 =	vadd.s32 v10, v61  }
0x4b: {  	v6 =	vadd.s32 v6, v7;
	v8 =	vand.u32 $0x3, v8;
	v7 =	vadd.s32 v62, v9  }
0x4c: {  	v63 =	vshrl.u32 v6, $0x2;
	v7 =	vadd.s32 v8, v7  }
0x4d: {  	v6 =	vand.u32 $0x3, v6;
	v7 =	vadd.s32 v63, v7  }
0x4e: {  	v6 =	vadd.s32 v6, v7  }
0x4f: {  	(xrf0) =	vadd.scan.msk.s32 $0xffff, v6;
	_ =	sdelay $0x2  }
0x50: {  	v7 =	vmov s23;
	s23 =	sadd.s32 $0x1, s23  }
0x51: {  	p0 =	sne.s32 s23, $0x4  }
.Ltmp3:
0x52: {  	_ = 	snop;
	(pc) =	sbr.rel @p0 .LBB2_2-.Ltmp3, $4  }
0x53: {  	v6, _, _ =	vpop (xrf0)  }
0x54: {  	v6 =	vbroadcast v6, $0xF  }
0x55: {  	vm0 =	veq.s32 v7, v0  }
0x56: {  	v5 =	vsel vm0, v6, v5  }
0x57: {  	[tilespmem:$0x12400] =	vst v5  }
0x58: {  	[tilespmem:$0x12410] =	vst v5  }
0x59: {  	[tilespmem:$0x12420] =	vst v5  }
0x5a: {  	[tilespmem:$0x12430] =	vst v5  }
0x5b: {  	[tilespmem:$0x12440] =	vst v5  }
0x5c: {  	[tilespmem:$0x12450] =	vst v5  }
0x5d: {  	[tilespmem:$0x12460] =	vst v5  }
0x5e: {  	[tilespmem:$0x12470] =	vst v5  }
0x5f: {  	[spmem:s9] =	stream.linear.scatter [tilespmem:s18], [sflag:$0x1], $0x80, $0x38;
	[tilespmem:$0x12D00] =	vst v63  }
0x60: {  	_ =	swait.ge [sflag:s17], $0x80  }
0x61: {  	[sflag:s17] =	ssyncset.done $0x0  }
0x62: {  	[sflag:s17] =	ssyncadd.s32 $0xFFFFFF80  }
0x63: {  	[bflag:$0x0] =	sbarrier.arrive $0xFFFF  }
0x64: {  	[tilespmem:s19], [sflag:$0x1] =	stream.linear.gather [spmem:s2], $0x800, $0x38;
	[tilespmem:$0x12D00] =	vst v63  }
0x65: {  	_ =	swait.ge [sflag:s17], $0x800  }
0x66: {  	[sflag:s17] =	ssyncset.done $0x0  }
0x67: {  	[sflag:s17] =	ssyncadd.s32 $0xFFFFF800  }
0x68: {  	[tilespmem:$0x12000] =	vst v1  }
0x69: {  	v5 =	vld [tilespmem:$0x12480];
	[tilespmem:$0x12010] =	vst v1  }
0x6a: {  	v6 =	vld [tilespmem:$0x12500];
	[tilespmem:$0x12020] =	vst v1  }
0x6b: {  	[tilespmem:$0x12030] =	vst v1  }
0x6c: {  	v7 =	vld [tilespmem:$0x12580];
	[tilespmem:$0x12040] =	vst v1  }
0x6d: {  	[tilespmem:$0x12050] =	vst v1  }
0x6e: {  	v8 =	vld [tilespmem:$0x12600];
	[tilespmem:$0x12060] =	vst v1  }
0x6f: {  	[tilespmem:$0x12070] =	vst v1;
	vm0 =	vlt.s32 v5, v6  }
0x70: {  	[tilespmem:$0x12080] =	vst v1;
	v5 =	vsel vm0, v5, v6;
	v6 =	vld [tilespmem:$0x12680]  }
0x71: {  	[tilespmem:$0x12090] =	vst v1;
	vm0 =	vlt.s32 v5, v7  }
0x72: {  	[tilespmem:$0x120A0] =	vst v1;
	v5 =	vsel vm0, v5, v7;
	v7 =	vld [tilespmem:$0x12700]  }
0x73: {  	[tilespmem:$0x120B0] =	vst v1;
	vm0 =	vlt.s32 v5, v8  }
0x74: {  	v60 =	vld [tilespmem:$0x12780];
	[tilespmem:$0x120C0] =	vst v1;
	v5 =	vsel vm0, v5, v8  }
0x75: {  	[tilespmem:$0x120D0] =	vst v1;
	vm0 =	vlt.s32 v5, v6  }
0x76: {  	[tilespmem:$0x120E0] =	vst v1;
	v5 =	vsel vm0, v5, v6;
	v6 =	vld [tilespmem:$0x12800]  }
0x77: {  	[tilespmem:$0x120F0] =	vst v1;
	vm0 =	vlt.s32 v5, v7  }
0x78: {  	[tilespmem:$0x12100] =	vst v1;
	v5 =	vsel vm0, v5, v7;
	v7 =	vld [tilespmem:$0x12880]  }
0x79: {  	[tilespmem:$0x12110] =	vst v1;
	vm0 =	vlt.s32 v5, v60  }
0x7a: {  	v61 =	vld [tilespmem:$0x12900];
	[tilespmem:$0x12120] =	vst v1;
	v5 =	vsel vm0, v5, v60  }
0x7b: {  	[tilespmem:$0x12130] =	vst v1;
	vm0 =	vlt.s32 v5, v6  }
0x7c: {  	[tilespmem:$0x12140] =	vst v1;
	v5 =	vsel vm0, v5, v6;
	v6 =	vld [tilespmem:$0x12980]  }
0x7d: {  	[tilespmem:$0x12150] =	vst v1;
	vm0 =	vlt.s32 v5, v7  }
0x7e: {  	[tilespmem:$0x12160] =	vst v1;
	v5 =	vsel vm0, v5, v7;
	v7 =	vld [tilespmem:$0x12A00]  }
0x7f: {  	[tilespmem:$0x12170] =	vst v1;
	vm0 =	vlt.s32 v5, v61  }
0x80: {  	v62 =	vld [tilespmem:$0x12A80];
	[tilespmem:$0x12180] =	vst v1;
	v5 =	vsel vm0, v5, v61  }
0x81: {  	[tilespmem:$0x12190] =	vst v1;
	vm0 =	vlt.s32 v5, v6  }
0x82: {  	[tilespmem:$0x121A0] =	vst v1;
	v5 =	vsel vm0, v5, v6;
	v6 =	vld [tilespmem:$0x12B00]  }
0x83: {  	[tilespmem:$0x121B0] =	vst v1;
	vm0 =	vlt.s32 v5, v7  }
0x84: {  	[tilespmem:$0x121C0] =	vst v1;
	v5 =	vsel vm0, v5, v7;
	v7 =	vld [tilespmem:$0x12B80]  }
0x85: {  	[tilespmem:$0x121D0] =	vst v1;
	vm0 =	vlt.s32 v5, v62  }
0x86: {  	v63 =	vld [tilespmem:$0x12C00];
	[tilespmem:$0x121E0] =	vst v1;
	v5 =	vsel vm0, v5, v62  }
0x87: {  	[tilespmem:$0x121F0] =	vst v1;
	vm0 =	vlt.s32 v5, v6  }
0x88: {  	[tilespmem:$0x12200] =	vst v1;
	v5 =	vsel vm0, v5, v6  }
0x89: {  	[tilespmem:$0x12210] =	vst v1;
	vm0 =	vlt.s32 v5, v7  }
0x8a: {  	[tilespmem:$0x12220] =	vst v1;
	v5 =	vsel vm0, v5, v7  }
0x8b: {  	[tilespmem:$0x12230] =	vst v1;
	vm0 =	vlt.s32 v5, v63  }
0x8c: {  	[tilespmem:$0x12240] =	vst v1;
	v5 =	vsel vm0, v5, v63  }
0x8d: {  	[tilespmem:$0x12250] =	vst v1;
	v5 =	vxor.u32 $0x80000000, v5  }
0x8e: {  	[tilespmem:$0x12260] =	vst v1;
	(xrf0) =	vmin.scan.msk.u32 $0xffff, v5  }
0x8f: {  	[tilespmem:$0x12270] =	vst v1  }
0x90: {  	[tilespmem:$0x12280] =	vst v1  }
0x91: {  	[tilespmem:$0x12290] =	vst v1  }
0x92: {  	[tilespmem:$0x122A0] =	vst v1  }
0x93: {  	[tilespmem:$0x122B0] =	vst v1  }
0x94: {  	[tilespmem:$0x122C0] =	vst v1;
	v5, _, _ =	vpop (xrf0)  }
0x95: {  	[tilespmem:$0x122D0] =	vst v1;
	(v2sf) =	vpush v5, $0xF  }
0x96: {  	[tilespmem:$0x122E0] =	vst v1  }
0x97: {  	[tilespmem:$0x122F0] =	vst v1  }
0x98: {  	[tilespmem:$0x12300] =	vst v1  }
0x99: {  	[tilespmem:$0x12310] =	vst v1  }
0x9a: {  	[tilespmem:$0x12320] =	vst v1  }
0x9b: {  	[tilespmem:$0x12330] =	vst v1  }
0x9c: {  	[tilespmem:$0x12340] =	vst v1  }
0x9d: {  	[tilespmem:$0x12350] =	vst v1  }
0x9e: {  	[tilespmem:$0x12360] =	vst v1  }
0x9f: {  	[tilespmem:$0x12370] =	vst v1  }
0xa0: {  	[tilespmem:$0x12380] =	vst v1  }
0xa1: {  	[tilespmem:$0x12390] =	vst v1  }
0xa2: {  	[tilespmem:$0x123A0] =	vst v1  }
.Ltmp4:
0xa3: {  	[tilespmem:$0x123B0] =	vst v1;
	(pc) =	sbr.rel .LBB2_6-.Ltmp4, $4  }
0xa4: {  	[tilespmem:$0x123C0] =	vst v1;
	s25 =	spop (v2sf)  }
0xa5: {  	[tilespmem:$0x123D0] =	vst v1;
	s23 =	sxor.u32 $0x80000000, s25  }
0xa6: {  	s24 =	simm.s32 $0x0;
	p3 =	por $0x1, $0x1;
	[tilespmem:$0x123E0] =	vst v1;
	p0 =	sgt.s32 s23, $0x1  }
0xa7: {  	[tilespmem:$0x123F0] =	vst v1;
	p1 =	sne.s32 s25, $0x80000000;
	s23 =	simm.s32 @!p0 $0x1;
	p0 =	seq.s32 s25, $0x80000000  }
.LBB2_31:
.Ltmp5:
0xa8: {  	s0 =	sadd.s32 s6, s24;
	s24 =	simm.s32 $0x1;
	(pc) =	sbr.rel @!p2 .LBB2_32-.Ltmp5, $4  }
0xa9: {  	[hbm4b:s0+s14] =	stream.strided.scatter [tilespmem:s21], [sflag:$0x1], $0x8000, s15, s14, $0x38;
	[tilespmem:$0x12D00] =	vst v63  }
0xaa: {  	_ =	swait.ge [sflag:s24], $0x8000  }
0xab: {  	[sflag:s24] =	ssyncset.done $0x0  }
0xac: {  	p3 =	por $0x0, $0x0;
	[sflag:s24] =	ssyncadd.s32 $0xFFFF8000  }
.LBB2_6:
0xad: {  	s26 =	sor.u32 s7, s24  }
0xae: {  	s24 =	sshll.u32 s26, $0x7  }
0xaf: {  	s28 =	sand.u32 $0x380, s24  }
0xb0: {  	s24 =	sor.u32 s10, s28  }
0xb1: {  	s24 =	sshrl.u32 s24, $0x3  }
0xb2: {  	s25 =	simm.s32 $0x80;
	s29 =	sadd.s32 s5, s24  }
0xb3: {  	[tilespmem:s3], [sflag:$0x1] =	stream.strided.gather [hbm4b:s29+s25], $0x8000, s15, s25, $0x38;
	[tilespmem:$0x12D00] =	vst v63  }
0xb4: {  	s28 =	sor.u32 s11, s28;
	_ =	swait.ge [sflag:s17], $0x8000  }
0xb5: {  	s28 =	sshrl.u32 s28, $0x3;
	[sflag:s17] =	ssyncset.done $0x0  }
0xb6: {  	s28 =	sadd.s32 s1, s28;
	[sflag:s17] =	ssyncadd.s32 $0xFFFF8000  }
0xb7: {  	[tilespmem:s16], [sflag:$0x1] =	stream.strided.gather [hbm4b:s28+s25], $0x2000, s15, s25, $0x38;
	[tilespmem:$0x12D00] =	vst v63  }
0xb8: {  	_ =	swait.ge [sflag:s17], $0x2000  }
0xb9: {  	[sflag:s17] =	ssyncset.done $0x0  }
0xba: {  	[sflag:s17] =	ssyncadd.s32 $0xFFFFE000  }
0xbb: {  	v5 =	vld [tilespmem:s12+$0x12480]  }
0xbc: {  	v7 =	vld [tilespmem:s25+$0xFFFFFFC0]  }
0xbd: {  	v8 =	vld [tilespmem:s25+$0x60]  }
0xbe: {  	v9 =	vld [tilespmem:s25+$0x10]  }
0xbf: {  	s28 =	simm.s32 $0x0;
	v10 =	vld [tilespmem:s25+$0x30]  }
0xc0: {  	v6 =	vor.u32 s28, v2;
	v11 =	vld [tilespmem:s25+$0x20]  }
0xc1: {  	v13 =	vld [tilespmem:s25+$0xFFFFFFE0]  }
0xc2: {  	s28 =	simm.s32 $0x8;
	v16 =	vld [tilespmem:s25+$0xFFFFFFA0]  }
0xc3: {  	v12 =	vor.u32 s28, v2;
	s28 =	simm.s32 $0x14;
	v18 =	vld [tilespmem:s25+$0xFFFFFFF0]  }
0xc4: {  	v14 =	vor.u32 s28, v2;
	s28 =	simm.s32 $0x18;
	v20 =	vld [tilespmem:s25+$0x0]  }
0xc5: {  	v15 =	vld.idx.msk [tilespmem:v6+s16+$0x0], $0xffff;
	v6 =	vor.u32 s28, v2;
	s28 =	simm.s32 $0x1C  }
0xc6: {  	v30 =	vld [tilespmem:s25+$0xFFFFFF80];
	v17 =	vor.u32 s28, v2;
	s28 =	simm.s32 $0x20  }
0xc7: {  	v61 =	vld [tilespmem:s25+$0xFFFFFFD0];
	v19 =	vor.u32 s28, v2;
	s28 =	simm.s32 $0x24  }
0xc8: {  	v12 =	vld.idx.msk [tilespmem:v12+s16+$0x0], $0xffff;
	v21 =	vor.u32 s28, v2;
	s28 =	simm.s32 $0x28  }
0xc9: {  	v14 =	vld.idx.msk [tilespmem:v14+s16+$0x0], $0xffff;
	v22 =	vor.u32 s28, v2;
	s28 =	simm.s32 $0x2C  }
0xca: {  	v23 =	vor.u32 s28, v2;
	s28 =	simm.s32 $0x38;
	v24 =	vld.idx.msk [tilespmem:v6+s16+$0x0], $0xffff  }
0xcb: {  	v6 =	vor.u32 s28, v2;
	v17 =	vld.idx.msk [tilespmem:v17+s16+$0x0], $0xffff  }
0xcc: {  	s29 =	simm.s32 $0xC;
	v19 =	vld.idx.msk [tilespmem:v19+s16+$0x0], $0xffff  }
0xcd: {  	v25 =	vor.u32 s29, v2;
	s28 =	simm.s32 $0x3C;
	v21 =	vld.idx.msk [tilespmem:v21+s16+$0x0], $0xffff  }
0xce: {  	v12 =	vand.u32 v3, v12;
	v26 =	vor.u32 s28, v2;
	s28 =	simm.s32 $0x4;
	v14 =	vand.u32 v3, v14;
	v22 =	vld.idx.msk [tilespmem:v22+s16+$0x0], $0xffff  }
0xcf: {  	vm2 =	vne.s32 v12, $0x0;
	v28 =	vor.u32 s28, v2;
	s28 =	simm.s32 $0x10;
	vm8 =	vne.s32 v14, $0x0;
	v23 =	vld.idx.msk [tilespmem:v23+s16+$0x0], $0xffff  }
0xd0: {  	v56 =	vor.u32 s28, v2;
	s28 =	simm.s32 $0x30;
	v14 =	vnsel vm8, $0xFFFFFFFF, v61;
	v27 =	vld.idx.msk [tilespmem:v6+s16+$0x0], $0xffff;
	v6 =	vnsel vm2, $0xFFFFFFFF, v16  }
0xd1: {  	v57 =	vld [tilespmem:s25+$0xFFFFFF90];
	v29 =	vor.u32 s28, v2;
	v19 =	vand.u32 v3, v19;
	v31 =	vshra.s32 v6, $0x14  }
0xd2: {  	v60 =	vld [tilespmem:s25+$0x70];
	v17 =	vand.u32 v3, v17;
	vm0 =	vne.s32 v19, $0x0;
	v19 =	vand.u32 v3, v21  }
0xd3: {  	v12 =	vld.idx.msk [tilespmem:v25+s16+$0x0], $0xffff;
	[tilespmem:s25+$0xFFFFFFD0] =	vst v14;
	vm5 =	vne.s32 v17, $0x0;
	vm1 =	vne.s32 v19, $0x0;
	v19 =	vand.u32 v3, v22  }
0xd4: {  	v16 =	vld [tilespmem:s25+$0xFFFFFFB0];
	[tilespmem:s25+$0xFFFFFFA0] =	vst v6;
	v9 =	vnsel vm1, $0xFFFFFFFF, v9;
	vm3 =	vne.s32 v19, $0x0;
	v19 =	vand.u32 v3, v23  }
0xd5: {  	v58 =	vld.idx.msk [tilespmem:v26+s16+$0x0], $0xffff;
	v18 =	vnsel vm5, $0xFFFFFFFF, v18;
	[tilespmem:s25+$0x10] =	vst v9;
	vm4 =	vne.s32 v19, $0x0;
	v19 =	vand.u32 v3, v24  }
0xd6: {  	v11 =	vnsel vm3, $0xFFFFFFFF, v11;
	v9 =	vshra.s32 v9, $0x14;
	[tilespmem:v31+s20+$0x0] =	vst.idx.add.s32.msk vm2, v4;
	vm2 =	vne.s32 v19, $0x0  }
0xd7: {  	v59 =	vld.idx.msk [tilespmem:v28+s16+$0x0], $0xffff;
	[tilespmem:s25+$0xFFFFFFF0] =	vst v18;
	v19 =	vshra.s32 v11, $0x14;
	v13 =	vnsel vm2, $0xFFFFFFFF, v13  }
0xd8: {  	v25 =	vld.idx.msk [tilespmem:v56+s16+$0x0], $0xffff;
	[tilespmem:s25+$0x20] =	vst v11;
	v11 =	vshra.s32 v13, $0x14  }
0xd9: {  	s28 =	simm.s32 $0x34;
	v17 =	vld.idx.msk [tilespmem:v29+s16+$0x0], $0xffff;
	v10 =	vnsel vm4, $0xFFFFFFFF, v10;
	[tilespmem:s25+$0xFFFFFFE0] =	vst v13;
	v13 =	vshra.s32 v18, $0x14  }
0xda: {  	v62 =	vor.u32 s28, v2;
	[tilespmem:s25+$0x30] =	vst v10;
	v18 =	vld [tilespmem:s25+$0x40]  }
0xdb: {  	v27 =	vand.u32 v3, v27;
	v10 =	vshra.s32 v10, $0x14;
	[tilespmem:v9+s20+$0x0] =	vst.idx.add.s32.msk vm1, v4  }
0xdc: {  	v6 =	vnsel vm0, $0xFFFFFFFF, v20;
	vm7 =	vne.s32 v27, $0x0;
	[tilespmem:v19+s20+$0x0] =	vst.idx.add.s32.msk vm3, v4  }
0xdd: {  	v8 =	vnsel vm7, $0xFFFFFFFF, v8;
	v9 =	vand.u32 v3, v15;
	v15 =	vshra.s32 v14, $0x14;
	[tilespmem:v11+s20+$0x0] =	vst.idx.add.s32.msk vm2, v4  }
0xde: {  	vm3 =	vne.s32 v9, $0x0;
	v11 =	vand.u32 v3, v12;
	[tilespmem:v13+s20+$0x0] =	vst.idx.add.s32.msk vm5, v4;
	v12 =	vand.u32 v3, v17  }
0xdf: {  	[tilespmem:s25+$0x60] =	vst v8;
	v19 =	vshra.s32 v8, $0x14;
	v8 =	vnsel vm3, $0xFFFFFFFF, v30;
	v13 =	vld.idx.msk [tilespmem:v62+s16+$0x0], $0xffff;
	vm9 =	vne.s32 v12, $0x0  }
0xe0: {  	[tilespmem:v10+s20+$0x0] =	vst.idx.add.s32.msk vm4, v4;
	v10 =	vand.u32 v3, v58;
	vm2 =	vne.s32 v11, $0x0;
	v11 =	vnsel vm9, $0xFFFFFFFF, v18  }
0xe1: {  	[tilespmem:s25+$0x0] =	vst v6;
	v17 =	vand.u32 v3, v59;
	v9 =	vshra.s32 v8, $0x14;
	v18 =	vld [tilespmem:s25+$0x50];
	v63 =	vshra.s32 v11, $0x14  }
0xe2: {  	vm4 =	vne.s32 v10, $0x0;
	vm1 =	vne.s32 v17, $0x0;
	v12 =	vand.u32 v3, v25;
	[tilespmem:v15+s20+$0x0] =	vst.idx.add.s32.msk vm8, v4  }
0xe3: {  	vm6 =	vne.s32 v12, $0x0;
	v14 =	vnsel vm1, $0xFFFFFFFF, v57;
	v15 =	vnsel vm2, $0xFFFFFFFF, v16;
	[tilespmem:s25+$0x40] =	vst v11  }
0xe4: {  	v7 =	vnsel vm6, $0xFFFFFFFF, v7;
	v11 =	vnsel vm4, $0xFFFFFFFF, v60;
	[tilespmem:v19+s20+$0x0] =	vst.idx.add.s32.msk vm7, v4;
	v13 =	vand.u32 v3, v13  }
0xe5: {  	p2 =	por p3, p3;
	v12 =	vshra.s32 v14, $0x14;
	[tilespmem:s25+$0xFFFFFFC0] =	vst v7;
	v16 =	vshra.s32 v7, $0x14;
	vm5 =	vne.s32 v13, $0x0  }
0xe6: {  	s30 =	simm.s32 $0x180;
	s29 =	simm.s32 $0x7C;
	s28 =	simm.s32 $0x0;
	v17 =	vshra.s32 v15, $0x14;
	v10 =	vshra.s32 v11, $0x14;
	v13 =	vnsel vm5, $0xFFFFFFFF, v18;
	[tilespmem:v63+s20+$0x0] =	vst.idx.add.s32.msk vm9, v4  }
.LBB2_7:
0xe7: {  	s31 =	sadd.s32 $0xFFFFFFC4, s29;
	v7 =	vld [tilespmem:s30+$0xFFFFFFC0];
	v18 =	vor.u32 s29, v2;
	s28 =	sadd.s32 $0x10, s28;
	[tilespmem:s25+$0xFFFFFF80] =	vst v8;
	v19 =	vshra.s32 v13, $0x14  }
0xe8: {  	v20 =	vor.u32 s31, v2;
	s31 =	sadd.s32 $0xFFFFFFC8, s29;
	v8 =	vld [tilespmem:s30+$0x60];
	p3 =	slt.u32 s28, $0x7F0;
	[tilespmem:s25+$0xFFFFFF90] =	vst v14  }
0xe9: {  	v6 =	vshra.s32 v6, $0x14;
	v14 =	vor.u32 s31, v2;
	s31 =	sadd.s32 $0xFFFFFFCC, s29;
	v21 =	vld [tilespmem:s30+$0x10];
	[tilespmem:s25+$0xFFFFFFB0] =	vst v15  }
0xea: {  	v15 =	vor.u32 s31, v2;
	s31 =	sadd.s32 $0xFFFFFFD0, s29;
	[tilespmem:v16+s20+$0x0] =	vst.idx.add.s32.msk vm6, v4  }
0xeb: {  	v16 =	vor.u32 s31, v2;
	s31 =	sadd.s32 $0xFFFFFFD4, s29;
	[tilespmem:v17+s20+$0x0] =	vst.idx.add.s32.msk vm2, v4  }
0xec: {  	v17 =	vor.u32 s31, v2;
	s31 =	sadd.s32 $0xFFFFFFD8, s29;
	[tilespmem:v9+s20+$0x0] =	vst.idx.add.s32.msk vm3, v4  }
0xed: {  	v9 =	vor.u32 s31, v2;
	s31 =	sadd.s32 $0xFFFFFFDC, s29;
	v22 =	vld [tilespmem:s30+$0x30];
	[tilespmem:s25+$0x70] =	vst v11  }
0xee: {  	v11 =	vor.u32 s31, v2;
	s31 =	sadd.s32 $0xFFFFFFE0, s29;
	[tilespmem:v6+s20+$0x0] =	vst.idx.add.s32.msk vm0, v4  }
0xef: {  	v6 =	vor.u32 s31, v2;
	s31 =	sadd.s32 $0xFFFFFFE4, s29;
	[tilespmem:v12+s20+$0x0] =	vst.idx.add.s32.msk vm1, v4  }
0xf0: {  	v12 =	vor.u32 s31, v2;
	s31 =	sadd.s32 $0xFFFFFFE8, s29;
	[tilespmem:v10+s20+$0x0] =	vst.idx.add.s32.msk vm4, v4  }
0xf1: {  	v10 =	vor.u32 s31, v2;
	v23 =	vld [tilespmem:s30+$0x20];
	s31 =	sadd.s32 $0xFFFFFFEC, s29;
	[tilespmem:s25+$0x50] =	vst v13;
	s25 =	smov.u32 s30  }
0xf2: {  	v13 =	vld [tilespmem:s30+$0xFFFFFFE0];
	v24 =	vor.u32 s31, v2;
	s31 =	sadd.s32 $0xFFFFFFF0, s29  }
0xf3: {  	v25 =	vor.u32 s31, v2;
	s31 =	sadd.s32 $0xFFFFFFF4, s29;
	[tilespmem:v19+s20+$0x0] =	vst.idx.add.s32.msk vm5, v4  }
0xf4: {  	v19 =	vld.idx.msk [tilespmem:v20+s16+$0x0], $0xffff;
	v20 =	vor.u32 s31, v2  }
0xf5: {  	v26 =	vld [tilespmem:s30+$0xFFFFFFA0]  }
0xf6: {  	v27 =	vld [tilespmem:s30+$0xFFFFFFF0]  }
0xf7: {  	v28 =	vld [tilespmem:s30+$0x0]  }
0xf8: {  	v15 =	vld.idx.msk [tilespmem:v15+s16+$0x0], $0xffff  }
0xf9: {  	s0 =	sadd.s32 $0xFFFFFFFC, s29;
	s31 =	sadd.s32 $0xFFFFFFF8, s29;
	v9 =	vld.idx.msk [tilespmem:v9+s16+$0x0], $0xffff  }
0xfa: {  	v29 =	vor.u32 s0, v2;
	v11 =	vld.idx.msk [tilespmem:v11+s16+$0x0], $0xffff  }
0xfb: {  	v6 =	vld.idx.msk [tilespmem:v6+s16+$0x0], $0xffff  }
0xfc: {  	v12 =	vld.idx.msk [tilespmem:v12+s16+$0x0], $0xffff  }
0xfd: {  	v10 =	vld.idx.msk [tilespmem:v10+s16+$0x0], $0xffff  }
0xfe: {  	v15 =	vand.u32 v3, v15;
	v24 =	vld.idx.msk [tilespmem:v24+s16+$0x0], $0xffff  }
0xff: {  	v9 =	vand.u32 v3, v9;
	v25 =	vld.idx.msk [tilespmem:v25+s16+$0x0], $0xffff  }
0x100: {  	v29 =	vld.idx.msk [tilespmem:v29+s16+$0x0], $0xffff  }
0x101: {  	vm1 =	vne.s32 v15, $0x0;
	v15 =	vld.idx.msk [tilespmem:v16+s16+$0x0], $0xffff;
	v16 =	vand.u32 v3, v6  }
0x102: {  	v6 =	vnsel vm1, $0xFFFFFFFF, v26;
	v12 =	vand.u32 v3, v12;
	v26 =	vld [tilespmem:s30+$0xFFFFFFB0]  }
0x103: {  	v31 =	vshra.s32 v6, $0x14;
	vm0 =	vne.s32 v12, $0x0;
	v10 =	vand.u32 v3, v10;
	v30 =	vld [tilespmem:s30+$0xFFFFFF80];
	[tilespmem:s30+$0xFFFFFFA0] =	vst v6  }
0x104: {  	v6 =	vnsel vm0, $0xFFFFFFFF, v28;
	vm4 =	vne.s32 v10, $0x0;
	v10 =	vand.u32 v3, v24;
	v12 =	vld [tilespmem:s30+$0xFFFFFF90]  }
0x105: {  	v21 =	vnsel vm4, $0xFFFFFFFF, v21;
	vm6 =	vne.s32 v10, $0x0;
	v10 =	vand.u32 v3, v25;
	[tilespmem:s30+$0x0] =	vst v6;
	v18 =	vld.idx.msk [tilespmem:v18+s16+$0x0], $0xffff  }
0x106: {  	vm5 =	vne.s32 v10, $0x0;
	v10 =	vor.u32 s31, v2;
	v24 =	vand.u32 v3, v29;
	v14 =	vld.idx.msk [tilespmem:v14+s16+$0x0], $0xffff;
	[tilespmem:s30+$0x10] =	vst v21  }
0x107: {  	v19 =	vand.u32 v3, v19;
	v11 =	vand.u32 v3, v11;
	v21 =	vshra.s32 v21, $0x14;
	v25 =	vld [tilespmem:s30+$0x70]  }
0x108: {  	v23 =	vnsel vm6, $0xFFFFFFFF, v23;
	v15 =	vand.u32 v3, v15;
	v22 =	vnsel vm5, $0xFFFFFFFF, v22;
	[tilespmem:v31+s20+$0x0] =	vst.idx.add.s32.msk vm1, v4  }
0x109: {  	vm8 =	vne.s32 v11, $0x0;
	v11 =	vshra.s32 v23, $0x14;
	vm7 =	vne.s32 v24, $0x0;
	[tilespmem:s30+$0x30] =	vst v22;
	v20 =	vld.idx.msk [tilespmem:v20+s16+$0x0], $0xffff  }
0x10a: {  	v13 =	vnsel vm8, $0xFFFFFFFF, v13;
	vm9 =	vne.s32 v16, $0x0;
	v16 =	vnsel vm7, $0xFFFFFFFF, v8;
	v24 =	vld [tilespmem:s30+$0xFFFFFFD0];
	[tilespmem:s30+$0x20] =	vst v23  }
0x10b: {  	v8 =	vnsel vm9, $0xFFFFFFFF, v27;
	v28 =	vshra.s32 v16, $0x14;
	v23 =	vshra.s32 v13, $0x14;
	v27 =	vld.idx.msk [tilespmem:v10+s16+$0x0], $0xffff  }
0x10c: {  	vm2 =	vne.s32 v15, $0x0;
	v10 =	vand.u32 v3, v14;
	v17 =	vld.idx.msk [tilespmem:v17+s16+$0x0], $0xffff;
	[tilespmem:s30+$0xFFFFFFE0] =	vst v13;
	v13 =	vshra.s32 v8, $0x14  }
0x10d: {  	vm3 =	vne.s32 v19, $0x0;
	v19 =	vshra.s32 v22, $0x14;
	vm1 =	vne.s32 v10, $0x0;
	[tilespmem:s30+$0xFFFFFFF0] =	vst v8;
	v22 =	vld [tilespmem:s30+$0x40]  }
0x10e: {  	vm10 =	vne.s32 v9, $0x0;
	v10 =	vand.u32 v3, v18;
	v8 =	vnsel vm3, $0xFFFFFFFF, v30;
	[tilespmem:v11+s20+$0x0] =	vst.idx.add.s32.msk vm6, v4  }
0x10f: {  	v9 =	vshra.s32 v8, $0x14;
	v18 =	vnsel vm10, $0xFFFFFFFF, v24;
	[tilespmem:v21+s20+$0x0] =	vst.idx.add.s32.msk vm4, v4;
	vm4 =	vne.s32 v10, $0x0  }
0x110: {  	v14 =	vnsel vm1, $0xFFFFFFFF, v12;
	v21 =	vshra.s32 v18, $0x14;
	[tilespmem:v23+s20+$0x0] =	vst.idx.add.s32.msk vm8, v4;
	v11 =	vnsel vm4, $0xFFFFFFFF, v25  }
0x111: {  	v15 =	vnsel vm2, $0xFFFFFFFF, v26;
	v12 =	vand.u32 v3, v20;
	[tilespmem:v13+s20+$0x0] =	vst.idx.add.s32.msk vm9, v4;
	v10 =	vshra.s32 v11, $0x14  }
0x112: {  	vm8 =	vne.s32 v12, $0x0;
	v13 =	vand.u32 v3, v17;
	[tilespmem:s30+$0x60] =	vst v16  }
0x113: {  	vm6 =	vne.s32 v13, $0x0;
	v13 =	vnsel vm8, $0xFFFFFFFF, v22;
	[tilespmem:s30+$0xFFFFFFD0] =	vst v18;
	v18 =	vld [tilespmem:s30+$0x50]  }
0x114: {  	v7 =	vnsel vm6, $0xFFFFFFFF, v7;
	[tilespmem:v19+s20+$0x0] =	vst.idx.add.s32.msk vm5, v4;
	v19 =	vshra.s32 v13, $0x14  }
.Ltmp6:
0x115: {  	v12 =	vshra.s32 v14, $0x14;
	v16 =	vshra.s32 v7, $0x14;
	[tilespmem:v21+s20+$0x0] =	vst.idx.add.s32.msk vm10, v4;
	(pc) =	sbr.rel @p3 .LBB2_7-.Ltmp6, $4  }
0x116: {  	[tilespmem:s30+$0x40] =	vst v13  }
0x117: {  	[tilespmem:s30+$0xFFFFFFC0] =	vst v7;
	v7 =	vand.u32 v3, v27  }
0x118: {  	vm5 =	vne.s32 v7, $0x0;
	[tilespmem:v28+s20+$0x0] =	vst.idx.add.s32.msk vm7, v4  }
0x119: {  	s29 =	sadd.s32 $0x40, s29;
	v17 =	vshra.s32 v15, $0x14;
	s30 =	sadd.s32 $0x100, s30;
	[tilespmem:v19+s20+$0x0] =	vst.idx.add.s32.msk vm8, v4;
	v13 =	vnsel vm5, $0xFFFFFFFF, v18  }
0x11a: {  	_ =	sdelay $0x1  }
0x11b: {  	[tilespmem:s25+$0xFFFFFF80] =	vst v8  }
0x11c: {  	[tilespmem:s25+$0xFFFFFF90] =	vst v14  }
0x11d: {  	[tilespmem:s25+$0xFFFFFFB0] =	vst v15  }
0x11e: {  	[tilespmem:v16+s20+$0x0] =	vst.idx.add.s32.msk vm6, v4  }
0x11f: {  	s0 =	sand.u32 $0x3, s26;
	[tilespmem:s25+$0x70] =	vst v11  }
0x120: {  	v6 =	vshra.s32 v6, $0x14;
	[tilespmem:s25+$0x50] =	vst v13;
	v7 =	vmov s0  }
0x121: {  	[tilespmem:v17+s20+$0x0] =	vst.idx.add.s32.msk vm2, v4;
	vm14 =	veq.s32 v7, v0;
	v7 =	vshra.s32 v13, $0x14  }
0x122: {  	[tilespmem:v9+s20+$0x0] =	vst.idx.add.s32.msk vm3, v4  }
0x123: {  	[tilespmem:v12+s20+$0x0] =	vst.idx.add.s32.msk vm1, v4  }
0x124: {  	[tilespmem:v10+s20+$0x0] =	vst.idx.add.s32.msk vm4, v4;
	v5 =	vnsel vm14, $0x0, v5  }
0x125: {  	(xrf0) =	vadd.scan.msk.s32 $0xffff, v5;
	[tilespmem:v6+s20+$0x0] =	vst.idx.add.s32.msk vm0, v4  }
0x126: {  	s29 =	simm.s32 $0x0;
	[tilespmem:v7+s20+$0x0] =	vst.idx.add.s32.msk vm5, v4  }
0x127: {  	v6 =	vld [tilespmem:s29+$0x12000];
	_ =	sdelay $0x3  }
0x128: {  	v5, _, _ =	vpop (xrf0)  }
0x129: {  	(v2sf) =	vpush v5, $0xF;
	(xrf0) =	vadd.scan.msk.s32 $0xffff, v6;
	_ =	sdelay $0x5  }
0x12a: {  	s30 =	simm.s32 $0x0;
	v5, _, _ =	vpop (xrf0)  }
0x12b: {  	v6 =	vadd.s32 s30, v5  }
0x12c: {  	v5 =	vxor.u32 $0x80000000, v6  }
0x12d: {  	(xrf0) =	vmax.scan.msk.u32 $0xffff, v5;
	_ =	sdelay $0x5  }
0x12e: {  	s31 =	spop (v2sf);
	v8, _, _ =	vpop (xrf0)  }
0x12f: {  	s0 =	ssub.s32 s31, s23;
	(v2sf) =	vpush v8, $0xF  }
0x130: {  	v5 =	vmov s0  }
0x131: {  	vm15 =	vle.s32 v6, v5  }
0x132: {  	v6 =	vimm.s32 $0x0;
	v7 =	vsel vm15, $0x1, v1  }
0x133: {  	s26 =	simm.s32 $0x10;
	s25 =	simm.s32 $0x80;
	v6 =	vadd.s32 v7, v6  }
.LBB2_9:
0x134: {  	p3 =	sne.s32 s25, $0xFC0;
	v7 =	vld [tilespmem:s26+$0x12000];
	_ =	sdelay $0x4  }
0x135: {  	(xrf0) =	vadd.scan.msk.s32 $0xffff, v7;
	_ =	sdelay $0x4  }
0x136: {  	s0 =	spop (v2sf)  }
0x137: {  	v7, _, _ =	vpop (xrf0);
	s0 =	sxor.u32 $0x80000000, s0  }
0x138: {  	v7 =	vadd.s32 s0, v7  }
0x139: {  	vm0 =	vle.s32 v7, v5;
	v7 =	vxor.u32 $0x80000000, v7  }
0x13a: {  	v8 =	vsel vm0, $0x1, v1;
	(xrf0) =	vmax.scan.msk.u32 $0xffff, v7  }
0x13b: {  	v6 =	vadd.s32 v8, v6;
	_ =	sdelay $0x4  }
0x13c: {  	v7, _, _ =	vpop (xrf0)  }
.Ltmp7:
0x13d: {  	(v2sf) =	vpush v7, $0xF;
	(pc) =	sbr.rel @p3 .LBB2_9-.Ltmp7, $2  }
0x13e: {  	_ =	sdelay $0x2  }
0x13f: {  	s26 =	sshra.s32 s25, $0x2;
	s25 =	sadd.s32 $0x40, s25  }
0x140: {  	v7 =	vld [tilespmem:s26+$0x12000];
	_ =	sdelay $0x4  }
0x141: {  	(xrf0) =	vadd.scan.msk.s32 $0xffff, v7;
	_ =	sdelay $0x4  }
0x142: {  	s0 =	spop (v2sf)  }
0x143: {  	v7, _, _ =	vpop (xrf0);
	s0 =	sxor.u32 $0x80000000, s0  }
0x144: {  	v7 =	vadd.s32 s0, v7  }
0x145: {  	v8 =	vxor.u32 $0x80000000, v7  }
0x146: {  	(xrf0) =	vmax.scan.msk.u32 $0xffff, v8;
	_ =	sdelay $0x5  }
0x147: {  	vm0 =	vle.s32 v7, v5;
	v5, _, _ =	vpop (xrf0)  }
0x148: {  	v7 =	vsel vm0, $0x1, v1;
	(v2sf) =	vpush v5, $0xF  }
0x149: {  	v5 =	vadd.s32 v7, v6  }
0x14a: {  	(xrf0) =	vadd.scan.msk.s32 $0xffff, v5;
	_ =	sdelay $0x5  }
0x14b: {  	v5, _, _ =	vpop (xrf0)  }
0x14c: {  	s30 =	simm.s32 $0x12000;
	v6 =	vbroadcast v5, $0xF  }
0x14d: {  	v9 =	vld [tilespmem:s30+$0x0];
	_ =	sdelay $0x1  }
0x14e: {  	s25 =	simm.s32 $0x0  }
0x14f: {  	v8 =	vor.u32 s25, v0  }
0x150: {  	s26 =	simm.s32 $0x20;
	vm15 =	vgt.s32 v8, v6  }
0x151: {  	s28 =	simm.s32 $0x12010;
	s25 =	simm.s32 $0x10;
	v8 =	vimm.s32 $0x0;
	v9 =	vnsel vm15, $0x0, v9;
	v7 =	vld.idx.msk [tilespmem:v6+s30+$0x0], $0xffff;
	[tilespmem:s30+$0x0] =	vst v1;
	s31 =	spop (v2sf)  }
.LBB2_11:
0x152: {  	p3 =	sne.s32 s26, $0x3F0;
	v10 =	vld [tilespmem:s28+$0x0];
	[tilespmem:s28+$0x0] =	vst v1;
	v8 =	vadd.s32 v8, v9;
	s0 =	smov.u32 s26;
	s26 =	sadd.s32 $0x10, s26  }
.Ltmp8:
0x153: {  	(pc) =	sbr.rel @p3 .LBB2_11-.Ltmp8, $4  }
0x154: {  	_ = 	snop  }
0x155: {  	v9 =	vor.u32 s25, v0;
	s25 =	smov.u32 s0  }
0x156: {  	vm0 =	vgt.s32 v9, v6  }
0x157: {  	s28 =	sadd.s32 $0x10, s28;
	v9 =	vnsel vm0, $0x0, v10  }
0x158: {  	v10 =	vld [tilespmem:s28+$0x0];
	[tilespmem:s28+$0x0] =	vst v1;
	s0 =	simm.s32 $0x80  }
0x159: {  	v11 =	vld [tilespmem:s0+$0xFFFFFF80]  }
0x15a: {  	v14 =	vld [tilespmem:s0+$0x20]  }
0x15b: {  	v15 =	vld [tilespmem:s0+$0xFFFFFFB0]  }
0x15c: {  	v17 =	vld [tilespmem:s0+$0xFFFFFFC0]  }
0x15d: {  	v16 =	vor.u32 s25, v0;
	v13 =	vld [tilespmem:s0+$0x0]  }
0x15e: {  	vm0 =	vgt.s32 v16, v6;
	v16 =	vld [tilespmem:s0+$0x30]  }
0x15f: {  	v8 =	vadd.s32 v8, v9;
	v28 =	vld [tilespmem:s0+$0xFFFFFFE0]  }
0x160: {  	v10 =	vnsel vm0, $0x0, v10;
	v9 =	vshra.s32 v11, $0x14;
	v11 =	vshrl.u32 v11, $0xA  }
0x161: {  	v18 =	vld [tilespmem:s0+$0x40];
	v8 =	vadd.s32 v8, v10;
	v27 =	vshrl.u32 v14, $0xA;
	v22 =	vshrl.u32 v17, $0xA  }
0x162: {  	v23 =	vshra.s32 v14, $0x14;
	v14 =	vshrl.u32 v15, $0xA;
	vm0 =	veq.s32 v9, v6  }
0x163: {  	v12 =	vld [tilespmem:s0+$0xFFFFFF90];
	v20 =	vshra.s32 v16, $0x14;
	v15 =	vshra.s32 v15, $0x14;
	v10 =	vand.u32 $0x3FF, v11  }
0x164: {  	v26 =	vshrl.u32 v16, $0xA;
	v16 =	vshra.s32 v28, $0x14;
	v11 =	vshra.s32 v13, $0x14  }
0x165: {  	v19 =	vld [tilespmem:s0+$0xFFFFFFA0];
	v13 =	vshrl.u32 v13, $0xA;
	v9 =	vshra.s32 v17, $0x14;
	vm3 =	veq.s32 v20, v6  }
0x166: {  	v17 =	vld [tilespmem:s0+$0xFFFFFFD0];
	v20 =	vshrl.u32 v18, $0xA;
	vm2 =	veq.s32 v15, v6;
	v22 =	vand.u32 $0x3FF, v22  }
0x167: {  	v24 =	vld [tilespmem:s0+$0xFFFFFFF0];
	vm5 =	veq.s32 v23, v6;
	v15 =	vshrl.u32 v28, $0xA;
	vm4 =	veq.s32 v9, v6  }
0x168: {  	v9 =	vand.u32 $0x3FF, v14;
	[tilespmem:v10+s20+$0x0] =	vst.idx.add.s32.msk vm0, v4;
	v10 =	vshra.s32 v12, $0x14;
	v12 =	vshrl.u32 v12, $0xA  }
0x169: {  	v21 =	vld [tilespmem:s0+$0x70];
	vm0 =	veq.s32 v10, v6;
	v10 =	vand.u32 $0x3FF, v12;
	v12 =	vshra.s32 v18, $0x14  }
0x16a: {  	v25 =	vld [tilespmem:s0+$0x60];
	v14 =	vshra.s32 v19, $0x14;
	v20 =	vand.u32 $0x3FF, v20;
	vm6 =	veq.s32 v12, v6  }
0x16b: {  	v23 =	vld [tilespmem:s0+$0x10];
	vm1 =	veq.s32 v14, v6;
	v14 =	vshrl.u32 v17, $0xA;
	v18 =	vshrl.u32 v19, $0xA  }
0x16c: {  	s25 =	simm.s32 $0x0;
	s26 =	simm.s32 $0x180;
	v17 =	vshra.s32 v17, $0x14;
	v19 =	vld [tilespmem:s0+$0x50];
	v12 =	vand.u32 $0x3FF, v18;
	v18 =	vand.u32 $0x3FF, v27  }
.LBB2_13:
0x16d: {  	v27 =	vld [tilespmem:s26+$0xFFFFFF90];
	s25 =	sadd.s32 $0x10, s25;
	v28 =	vshra.s32 v24, $0x14  }
0x16e: {  	v24 =	vshrl.u32 v24, $0xA;
	v26 =	vand.u32 $0x3FF, v26;
	v29 =	vld [tilespmem:s26+$0xFFFFFFD0];
	p3 =	slt.u32 s25, $0x7F0;
	vm7 =	veq.s32 v28, v6  }
0x16f: {  	v13 =	vand.u32 $0x3FF, v13;
	v24 =	vand.u32 $0x3FF, v24;
	v28 =	vld [tilespmem:s26+$0x20]  }
0x170: {  	v30 =	vshrl.u32 v21, $0xA;
	v21 =	vshra.s32 v21, $0x14;
	[tilespmem:v20+s20+$0x0] =	vst.idx.add.s32.msk vm6, v4;
	v20 =	vshrl.u32 v25, $0xA  }
0x171: {  	v32 =	vshrl.u32 v19, $0xA;
	v19 =	vshra.s32 v19, $0x14;
	v31 =	vld [tilespmem:s26+$0x40];
	v20 =	vand.u32 $0x3FF, v20  }
0x172: {  	vm6 =	veq.s32 v19, v6;
	[tilespmem:v22+s20+$0x0] =	vst.idx.add.s32.msk vm4, v4;
	vm4 =	veq.s32 v17, v6;
	v17 =	vshra.s32 v25, $0x14  }
0x173: {  	v14 =	vand.u32 $0x3FF, v14;
	v19 =	vand.u32 $0x3FF, v32;
	[tilespmem:v26+s20+$0x0] =	vst.idx.add.s32.msk vm3, v4;
	vm3 =	veq.s32 v17, v6  }
0x174: {  	vm8 =	veq.s32 v21, v6;
	v22 =	vshrl.u32 v23, $0xA;
	v23 =	vshra.s32 v23, $0x14;
	v17 =	vld [tilespmem:s26+$0xFFFFFFA0]  }
0x175: {  	v21 =	vand.u32 $0x3FF, v30;
	[tilespmem:v24+s20+$0x0] =	vst.idx.add.s32.msk vm7, v4;
	vm7 =	veq.s32 v23, v6  }
0x176: {  	vm9 =	veq.s32 v11, v6;
	v11 =	vand.u32 $0x3FF, v22;
	[tilespmem:v18+s20+$0x0] =	vst.idx.add.s32.msk vm5, v4  }
0x177: {  	v18 =	vld [tilespmem:s26+$0xFFFFFFB0]  }
0x178: {  	v22 =	vld [tilespmem:s26+$0xFFFFFFC0]  }
0x179: {  	v23 =	vld [tilespmem:s26+$0xFFFFFF80]  }
0x17a: {  	vm5 =	veq.s32 v16, v6;
	[tilespmem:v20+s20+$0x0] =	vst.idx.add.s32.msk vm3, v4  }
0x17b: {  	v15 =	vand.u32 $0x3FF, v15;
	v16 =	vld [tilespmem:s26+$0x0]  }
0x17c: {  	[tilespmem:v11+s20+$0x0] =	vst.idx.add.s32.msk vm7, v4  }
0x17d: {  	[tilespmem:v13+s20+$0x0] =	vst.idx.add.s32.msk vm9, v4  }
0x17e: {  	v11 =	vshra.s32 v23, $0x14;
	[tilespmem:v21+s20+$0x0] =	vst.idx.add.s32.msk vm8, v4  }
0x17f: {  	v13 =	vshrl.u32 v23, $0xA;
	vm7 =	veq.s32 v11, v6;
	v21 =	vld [tilespmem:s26+$0x30]  }
0x180: {  	v20 =	vand.u32 $0x3FF, v13;
	v11 =	vshra.s32 v16, $0x14;
	[tilespmem:v15+s20+$0x0] =	vst.idx.add.s32.msk vm5, v4  }
0x181: {  	v13 =	vshrl.u32 v16, $0xA;
	[tilespmem:v19+s20+$0x0] =	vst.idx.add.s32.msk vm6, v4  }
0x182: {  	v30 =	vshrl.u32 v28, $0xA;
	[tilespmem:v14+s20+$0x0] =	vst.idx.add.s32.msk vm4, v4  }
0x183: {  	v15 =	vshrl.u32 v22, $0xA;
	v16 =	vshra.s32 v28, $0x14;
	v14 =	vshra.s32 v22, $0x14;
	[tilespmem:v10+s20+$0x0] =	vst.idx.add.s32.msk vm0, v4  }
0x184: {  	v10 =	vshrl.u32 v18, $0xA;
	vm4 =	veq.s32 v14, v6;
	v14 =	vshra.s32 v21, $0x14;
	[tilespmem:v12+s20+$0x0] =	vst.idx.add.s32.msk vm1, v4  }
0x185: {  	v12 =	vshra.s32 v18, $0x14;
	vm3 =	veq.s32 v14, v6;
	[tilespmem:v9+s20+$0x0] =	vst.idx.add.s32.msk vm2, v4;
	v9 =	vand.u32 $0x3FF, v10  }
0x186: {  	v18 =	vshrl.u32 v31, $0xA;
	v10 =	vshra.s32 v27, $0x14;
	v14 =	vshra.s32 v17, $0x14;
	[tilespmem:v20+s20+$0x0] =	vst.idx.add.s32.msk vm7, v4  }
0x187: {  	v19 =	vshrl.u32 v27, $0xA;
	vm0 =	veq.s32 v10, v6;
	v20 =	vand.u32 $0x3FF, v18;
	v23 =	vld [tilespmem:s26+$0xFFFFFFE0]  }
.Ltmp9:
0x188: {  	v10 =	vand.u32 $0x3FF, v19;
	vm1 =	veq.s32 v14, v6;
	v18 =	vshra.s32 v31, $0x14;
	v24 =	vld [tilespmem:s26+$0xFFFFFFF0];
	(pc) =	sbr.rel @p3 .LBB2_13-.Ltmp9, $4  }
0x189: {  	v22 =	vshrl.u32 v17, $0xA;
	v14 =	vshrl.u32 v29, $0xA;
	vm6 =	veq.s32 v18, v6;
	v19 =	vld [tilespmem:s26+$0x50]  }
0x18a: {  	v26 =	vshrl.u32 v21, $0xA;
	vm2 =	veq.s32 v12, v6;
	v17 =	vshra.s32 v29, $0x14;
	v21 =	vld [tilespmem:s26+$0x70]  }
0x18b: {  	vm5 =	veq.s32 v16, v6;
	v12 =	vand.u32 $0x3FF, v22;
	v22 =	vand.u32 $0x3FF, v15;
	v25 =	vld [tilespmem:s26+$0x60]  }
0x18c: {  	v18 =	vand.u32 $0x3FF, v30;
	v15 =	vshrl.u32 v23, $0xA;
	v16 =	vshra.s32 v23, $0x14;
	v23 =	vld [tilespmem:s26+$0x10];
	s26 =	sadd.s32 $0x100, s26  }
0x18d: {  	_ =	sdelay $0x4  }
0x18e: {  	v27 =	vshra.s32 v24, $0x14;
	[tilespmem:v20+s20+$0x0] =	vst.idx.add.s32.msk vm6, v4  }
0x18f: {  	v52 =	vshrl.u32 v24, $0xA;
	v26 =	vand.u32 $0x3FF, v26;
	v13 =	vand.u32 $0x3FF, v13;
	[tilespmem:v22+s20+$0x0] =	vst.idx.add.s32.msk vm4, v4  }
0x190: {  	vm15 =	veq.s32 v11, v6;
	vm13 =	veq.s32 v16, v6;
	[tilespmem:v18+s20+$0x0] =	vst.idx.add.s32.msk vm5, v4;
	v15 =	vand.u32 $0x3FF, v15  }
0x191: {  	v7 =	vxor.u32 $0x80000000, v7;
	vm14 =	veq.s32 v17, v6;
	[tilespmem:v10+s20+$0x0] =	vst.idx.add.s32.msk vm0, v4;
	vm7 =	veq.s32 v27, v6  }
0x192: {  	[tilespmem:v12+s20+$0x0] =	vst.idx.add.s32.msk vm1, v4;
	v24 =	vand.u32 $0x3FF, v52;
	v61 =	vshrl.u32 v19, $0xA;
	v62 =	vshra.s32 v19, $0x14  }
0x193: {  	(xrf0) =	vmax.scan.msk.u32 $0xffff, v7;
	v7 =	vand.u32 $0x3FF, v14;
	v58 =	vshra.s32 v21, $0x14;
	v60 =	vshrl.u32 v21, $0xA  }
0x194: {  	[tilespmem:v9+s20+$0x0] =	vst.idx.add.s32.msk vm2, v4;
	vm9 =	veq.s32 v62, v6;
	v53 =	vshra.s32 v25, $0x14;
	vm12 =	veq.s32 v58, v6  }
0x195: {  	v54 =	vshrl.u32 v25, $0xA;
	v21 =	vand.u32 $0x3FF, v60;
	vm8 =	veq.s32 v53, v6;
	[tilespmem:v26+s20+$0x0] =	vst.idx.add.s32.msk vm3, v4  }
0x196: {  	(xrf0) =	vadd.scan.msk.s32 $0xffff, v8;
	v55 =	vshra.s32 v23, $0x14;
	v56 =	vand.u32 $0x3FF, v54;
	[tilespmem:v13+s20+$0x0] =	vst.idx.add.s32.msk vm15, v4  }
0x197: {  	v57 =	vshrl.u32 v23, $0xA;
	vm6 =	veq.s32 v55, v6;
	v6 =	vand.u32 $0x3FF, v61;
	[tilespmem:v15+s20+$0x0] =	vst.idx.add.s32.msk vm13, v4  }
0x198: {  	v59 =	vand.u32 $0x3FF, v57;
	[tilespmem:v7+s20+$0x0] =	vst.idx.add.s32.msk vm14, v4  }
0x199: {  	[tilespmem:v24+s20+$0x0] =	vst.idx.add.s32.msk vm7, v4  }
0x19a: {  	[tilespmem:v21+s20+$0x0] =	vst.idx.add.s32.msk vm12, v4  }
0x19b: {  	[tilespmem:v56+s20+$0x0] =	vst.idx.add.s32.msk vm8, v4  }
0x19c: {  	[tilespmem:v6+s20+$0x0] =	vst.idx.add.s32.msk vm9, v4;
	v6, _, _ =	vpop (xrf0)  }
0x19d: {  	s0 =	simm.s32 $0x0;
	[tilespmem:v59+s20+$0x0] =	vst.idx.add.s32.msk vm6, v4;
	(v2sf) =	vpush v6, $0xF;
	v6, _, _ =	vpop (xrf0)  }
0x19e: {  	(v2sf) =	vpush v6, $0xF;
	v6 =	vld [tilespmem:s0+$0x12000];
	_ =	sdelay $0x4  }
0x19f: {  	(xrf0) =	vadd.scan.msk.s32 $0xffff, v6;
	_ =	sdelay $0x5  }
0x1a0: {  	s29 =	simm.s32 $0x0;
	v6, _, _ =	vpop (xrf0)  }
0x1a1: {  	v7 =	vadd.s32 s29, v6  }
0x1a2: {  	v6 =	vxor.u32 $0x80000000, v7  }
0x1a3: {  	(xrf0) =	vmax.scan.msk.u32 $0xffff, v6;
	_ =	sdelay $0x1  }
0x1a4: {  	s25 =	spop (v2sf)  }
0x1a5: {  	s30 =	spop (v2sf)  }
0x1a6: {  	s26 =	ssub.s32 s23, s30  }
0x1a7: {  	p3 =	sgt.s32 s26, $0x1  }
0x1a8: {  	s31 =	sxor.u32 $0x80000000, s25;
	s26 =	simm.s32 @!p3 $0x1;
	v63, _, _ =	vpop (xrf0)  }
0x1a9: {  	s0 =	ssub.s32 s31, s26;
	(v2sf) =	vpush v63, $0xF  }
0x1aa: {  	v6 =	vmov s0  }
0x1ab: {  	vm15 =	vle.s32 v7, v6  }
0x1ac: {  	v7 =	vimm.s32 $0x0;
	v8 =	vsel vm15, $0x1, v1  }
0x1ad: {  	s28 =	simm.s32 $0x10;
	s25 =	simm.s32 $0x80;
	v7 =	vadd.s32 v8, v7  }
.LBB2_15:
0x1ae: {  	p3 =	sne.s32 s25, $0xFC0;
	v8 =	vld [tilespmem:s28+$0x12000];
	_ =	sdelay $0x4  }
0x1af: {  	(xrf0) =	vadd.scan.msk.s32 $0xffff, v8;
	_ =	sdelay $0x4  }
0x1b0: {  	s0 =	spop (v2sf)  }
0x1b1: {  	v8, _, _ =	vpop (xrf0);
	s0 =	sxor.u32 $0x80000000, s0  }
0x1b2: {  	v8 =	vadd.s32 s0, v8  }
0x1b3: {  	vm0 =	vle.s32 v8, v6;
	v8 =	vxor.u32 $0x80000000, v8  }
0x1b4: {  	v9 =	vsel vm0, $0x1, v1;
	(xrf0) =	vmax.scan.msk.u32 $0xffff, v8  }
0x1b5: {  	v7 =	vadd.s32 v9, v7;
	_ =	sdelay $0x4  }
0x1b6: {  	v8, _, _ =	vpop (xrf0)  }
.Ltmp10:
0x1b7: {  	(v2sf) =	vpush v8, $0xF;
	(pc) =	sbr.rel @p3 .LBB2_15-.Ltmp10, $2  }
0x1b8: {  	_ =	sdelay $0x2  }
0x1b9: {  	s28 =	sshra.s32 s25, $0x2;
	s25 =	sadd.s32 $0x40, s25  }
0x1ba: {  	v8 =	vld [tilespmem:s28+$0x12000];
	_ =	sdelay $0x4  }
0x1bb: {  	(xrf0) =	vadd.scan.msk.s32 $0xffff, v8;
	_ =	sdelay $0x4  }
0x1bc: {  	s0 =	spop (v2sf)  }
0x1bd: {  	v8, _, _ =	vpop (xrf0);
	s0 =	sxor.u32 $0x80000000, s0  }
0x1be: {  	v8 =	vadd.s32 s0, v8  }
0x1bf: {  	v9 =	vxor.u32 $0x80000000, v8  }
0x1c0: {  	(xrf0) =	vmax.scan.msk.u32 $0xffff, v9;
	_ =	sdelay $0x5  }
0x1c1: {  	vm0 =	vle.s32 v8, v6;
	v6, _, _ =	vpop (xrf0)  }
0x1c2: {  	v8 =	vsel vm0, $0x1, v1;
	(v2sf) =	vpush v6, $0xF  }
0x1c3: {  	v6 =	vadd.s32 v8, v7  }
0x1c4: {  	(xrf0) =	vadd.scan.msk.s32 $0xffff, v6;
	_ =	sdelay $0x5  }
0x1c5: {  	v10, _, _ =	vpop (xrf0)  }
0x1c6: {  	s30 =	simm.s32 $0x12000;
	v7 =	vbroadcast v10, $0xF  }
0x1c7: {  	v9 =	vld [tilespmem:s30+$0x0];
	_ =	sdelay $0x1  }
0x1c8: {  	s25 =	simm.s32 $0x0  }
0x1c9: {  	v8 =	vor.u32 s25, v0  }
0x1ca: {  	s29 =	simm.s32 $0x10;
	vm15 =	vgt.s32 v8, v7  }
0x1cb: {  	s28 =	simm.s32 $0x20;
	s25 =	simm.s32 $0x12010;
	v8 =	vimm.s32 $0x0;
	v9 =	vnsel vm15, $0x0, v9;
	v6 =	vld.idx.msk [tilespmem:v7+s30+$0x0], $0xffff;
	[tilespmem:s30+$0x0] =	vst v1;
	s31 =	spop (v2sf)  }
.LBB2_17:
0x1cc: {  	p3 =	sne.s32 s28, $0x3F0;
	v11 =	vld [tilespmem:s25+$0x0];
	[tilespmem:s25+$0x0] =	vst v1;
	v8 =	vadd.s32 v8, v9;
	s0 =	smov.u32 s28;
	s28 =	sadd.s32 $0x10, s28  }
.Ltmp11:
0x1cd: {  	(pc) =	sbr.rel @p3 .LBB2_17-.Ltmp11, $4  }
0x1ce: {  	_ = 	snop  }
0x1cf: {  	v9 =	vor.u32 s29, v0;
	s29 =	smov.u32 s0  }
0x1d0: {  	vm0 =	vgt.s32 v9, v7  }
0x1d1: {  	s25 =	sadd.s32 $0x10, s25;
	v9 =	vnsel vm0, $0x0, v11  }
0x1d2: {  	(v2sf) =	vpush v5, $0xF  }
0x1d3: {  	(v2sf) =	vpush v10, $0xF;
	_ =	sdelay $0x9  }
0x1d4: {  	s28 =	simm.s32 $0x80;
	v10 =	vld [tilespmem:s25+$0x0];
	[tilespmem:s25+$0x0] =	vst v1  }
0x1d5: {  	v11 =	vld [tilespmem:s28+$0xFFFFFF80]  }
0x1d6: {  	v12 =	vld [tilespmem:s28+$0xFFFFFFD0]  }
0x1d7: {  	v14 =	vld [tilespmem:s28+$0x70]  }
0x1d8: {  	v17 =	vld [tilespmem:s28+$0x40];
	s0 =	spop (v2sf)  }
0x1d9: {  	v18 =	vld [tilespmem:s28+$0x50];
	s31 =	spop (v2sf);
	s0 =	sshll.u32 s0, $0xA  }
0x1da: {  	v47 =	vld [tilespmem:s28+$0x30];
	s25 =	sadd.s32 s0, s31  }
0x1db: {  	v19 =	vld [tilespmem:s28+$0x20];
	v16 =	vshra.s32 v11, $0xA;
	v5 =	vmov s25  }
0x1dc: {  	v48 =	vld [tilespmem:s28+$0x0];
	v20 =	vshra.s32 v14, $0xA;
	vm0 =	veq.s32 v16, v5  }
0x1dd: {  	v15 =	vld [tilespmem:s28+$0x60];
	v11 =	vand.u32 $0x3FF, v11;
	vm1 =	veq.s32 v20, v5  }
0x1de: {  	v23 =	vld [tilespmem:s28+$0xFFFFFFF0];
	v14 =	vand.u32 $0x3FF, v14  }
0x1df: {  	v63 =	vor.u32 s29, v0;
	v21 =	vld [tilespmem:s28+$0x10];
	v22 =	vshra.s32 v17, $0xA  }
0x1e0: {  	v24 =	vld [tilespmem:s28+$0xFFFFFFE0];
	v49 =	vshra.s32 v47, $0xA;
	v50 =	vshra.s32 v18, $0xA;
	v52 =	vshra.s32 v19, $0xA  }
0x1e1: {  	v51 =	vld [tilespmem:s28+$0xFFFFFFC0];
	v53 =	vshra.s32 v48, $0xA;
	v18 =	vand.u32 $0x3FF, v18;
	vm2 =	veq.s32 v22, v5  }
0x1e2: {  	v54 =	vshra.s32 v15, $0xA;
	vm4 =	veq.s32 v52, v5;
	[tilespmem:v11+s20+$0x0] =	vst.idx.add.s32.msk vm0, v4;
	v11 =	vand.u32 $0x3FF, v17  }
0x1e3: {  	v19 =	vand.u32 $0x3FF, v19;
	v56 =	vshra.s32 v23, $0xA;
	[tilespmem:v14+s20+$0x0] =	vst.idx.add.s32.msk vm1, v4;
	vm1 =	veq.s32 v53, v5  }
0x1e4: {  	v13 =	vld [tilespmem:s28+$0xFFFFFFB0];
	v57 =	vshra.s32 v21, $0xA;
	vm3 =	veq.s32 v50, v5;
	v20 =	vand.u32 $0x3FF, v48  }
0x1e5: {  	v55 =	vld [tilespmem:s28+$0xFFFFFFA0];
	v23 =	vand.u32 $0x3FF, v23;
	v59 =	vshra.s32 v24, $0xA;
	vm0 =	veq.s32 v49, v5  }
0x1e6: {  	v58 =	vld [tilespmem:s28+$0xFFFFFF90];
	v60 =	vshra.s32 v51, $0xA;
	v16 =	vand.u32 $0x3FF, v47;
	vm6 =	veq.s32 v57, v5  }
0x1e7: {  	v21 =	vand.u32 $0x3FF, v21;
	v62 =	vshra.s32 v12, $0xA;
	[tilespmem:v11+s20+$0x0] =	vst.idx.add.s32.msk vm2, v4;
	vm2 =	veq.s32 v56, v5  }
0x1e8: {  	v12 =	vand.u32 $0x3FF, v12;
	vm5 =	veq.s32 v54, v5;
	vm7 =	veq.s32 v60, v5;
	[tilespmem:v19+s20+$0x0] =	vst.idx.add.s32.msk vm4, v4  }
0x1e9: {  	v17 =	vand.u32 $0x3FF, v51;
	vm4 =	veq.s32 v62, v5;
	[tilespmem:v20+s20+$0x0] =	vst.idx.add.s32.msk vm1, v4;
	vm1 =	vgt.s32 v63, v7  }
0x1ea: {  	[tilespmem:v18+s20+$0x0] =	vst.idx.add.s32.msk vm3, v4;
	v11 =	vand.u32 $0x3FF, v15;
	v7 =	vadd.s32 v8, v9;
	v8 =	vnsel vm1, $0x0, v10  }
0x1eb: {  	[tilespmem:v16+s20+$0x0] =	vst.idx.add.s32.msk vm0, v4;
	vm0 =	veq.s32 v59, v5;
	v7 =	vadd.s32 v7, v8;
	v8 =	vshra.s32 v13, $0xA  }
0x1ec: {  	v61 =	vand.u32 $0x3FF, v24;
	[tilespmem:v21+s20+$0x0] =	vst.idx.add.s32.msk vm6, v4;
	v9 =	vshra.s32 v55, $0xA;
	vm1 =	veq.s32 v8, v5  }
0x1ed: {  	v10 =	vand.u32 $0x3FF, v13;
	v8 =	vshra.s32 v58, $0xA;
	[tilespmem:v23+s20+$0x0] =	vst.idx.add.s32.msk vm2, v4;
	vm2 =	veq.s32 v9, v5  }
0x1ee: {  	[tilespmem:v17+s20+$0x0] =	vst.idx.add.s32.msk vm7, v4;
	vm3 =	veq.s32 v8, v5;
	v8 =	vand.u32 $0x3FF, v55  }
0x1ef: {  	[tilespmem:v12+s20+$0x0] =	vst.idx.add.s32.msk vm4, v4;
	v9 =	vand.u32 $0x3FF, v58  }
0x1f0: {  	[tilespmem:v11+s20+$0x0] =	vst.idx.add.s32.msk vm5, v4  }
0x1f1: {  	s29 =	simm.s32 $0x0;
	[tilespmem:v61+s20+$0x0] =	vst.idx.add.s32.msk vm0, v4  }
.LBB2_19:
0x1f2: {  	s29 =	sadd.s32 $0x10, s29;
	[tilespmem:v10+s20+$0x0] =	vst.idx.add.s32.msk vm1, v4;
	s28 =	sadd.s32 $0x100, s28  }
0x1f3: {  	p3 =	slt.u32 s29, $0x7F0;
	[tilespmem:v8+s20+$0x0] =	vst.idx.add.s32.msk vm2, v4  }
0x1f4: {  	[tilespmem:v9+s20+$0x0] =	vst.idx.add.s32.msk vm3, v4  }
0x1f5: {  	v8 =	vld [tilespmem:s28+$0xFFFFFFD0]  }
0x1f6: {  	v9 =	vld [tilespmem:s28+$0xFFFFFF80]  }
0x1f7: {  	v10 =	vld [tilespmem:s28+$0xFFFFFFB0]  }
0x1f8: {  	v11 =	vld [tilespmem:s28+$0x70]  }
0x1f9: {  	v12 =	vld [tilespmem:s28+$0x60]  }
0x1fa: {  	v13 =	vld [tilespmem:s28+$0x50]  }
0x1fb: {  	v14 =	vshra.s32 v9, $0xA;
	v15 =	vld [tilespmem:s28+$0x40]  }
0x1fc: {  	vm2 =	veq.s32 v14, v5;
	v14 =	vld [tilespmem:s28+$0x30]  }
0x1fd: {  	v9 =	vand.u32 $0x3FF, v9;
	v16 =	vld [tilespmem:s28+$0x20];
	v17 =	vshra.s32 v11, $0xA  }
0x1fe: {  	v18 =	vld [tilespmem:s28+$0x10];
	v19 =	vshra.s32 v12, $0xA;
	vm3 =	veq.s32 v17, v5  }
0x1ff: {  	v11 =	vand.u32 $0x3FF, v11;
	v17 =	vld [tilespmem:s28+$0x0];
	v20 =	vshra.s32 v13, $0xA  }
0x200: {  	v12 =	vand.u32 $0x3FF, v12;
	vm0 =	veq.s32 v19, v5;
	v21 =	vld [tilespmem:s28+$0xFFFFFFF0];
	v22 =	vshra.s32 v15, $0xA  }
0x201: {  	vm1 =	veq.s32 v20, v5;
	v19 =	vld [tilespmem:s28+$0xFFFFFFE0];
	v23 =	vshra.s32 v14, $0xA;
	vm5 =	veq.s32 v22, v5  }
0x202: {  	v15 =	vand.u32 $0x3FF, v15;
	[tilespmem:v9+s20+$0x0] =	vst.idx.add.s32.msk vm2, v4;
	v9 =	vand.u32 $0x3FF, v16;
	vm2 =	veq.s32 v23, v5  }
0x203: {  	v14 =	vand.u32 $0x3FF, v14;
	v16 =	vshra.s32 v16, $0xA;
	v20 =	vld [tilespmem:s28+$0xFFFFFFC0];
	v22 =	vshra.s32 v18, $0xA  }
0x204: {  	v13 =	vand.u32 $0x3FF, v13;
	vm6 =	veq.s32 v16, v5;
	v23 =	vshra.s32 v17, $0xA;
	[tilespmem:v11+s20+$0x0] =	vst.idx.add.s32.msk vm3, v4  }
0x205: {  	vm4 =	veq.s32 v22, v5;
	v11 =	vld [tilespmem:s28+$0xFFFFFFA0];
	v16 =	vand.u32 $0x3FF, v21;
	vm3 =	veq.s32 v23, v5  }
0x206: {  	v17 =	vand.u32 $0x3FF, v17;
	v21 =	vshra.s32 v21, $0xA;
	v22 =	vld [tilespmem:s28+$0xFFFFFF90];
	v23 =	vand.u32 $0x3FF, v19  }
0x207: {  	v24 =	vand.u32 $0x3FF, v8;
	v19 =	vshra.s32 v19, $0xA;
	vm7 =	veq.s32 v21, v5;
	[tilespmem:v15+s20+$0x0] =	vst.idx.add.s32.msk vm5, v4  }
0x208: {  	v8 =	vshra.s32 v8, $0xA;
	v18 =	vand.u32 $0x3FF, v18;
	v15 =	vshra.s32 v20, $0xA;
	[tilespmem:v14+s20+$0x0] =	vst.idx.add.s32.msk vm2, v4  }
0x209: {  	vm8 =	veq.s32 v19, v5;
	v14 =	vshra.s32 v10, $0xA;
	vm5 =	veq.s32 v15, v5;
	[tilespmem:v13+s20+$0x0] =	vst.idx.add.s32.msk vm1, v4  }
0x20a: {  	vm1 =	veq.s32 v14, v5;
	v14 =	vand.u32 $0x3FF, v20;
	v13 =	vshra.s32 v11, $0xA;
	[tilespmem:v9+s20+$0x0] =	vst.idx.add.s32.msk vm6, v4  }
0x20b: {  	vm6 =	veq.s32 v8, v5;
	v9 =	vshra.s32 v22, $0xA;
	vm2 =	veq.s32 v13, v5;
	[tilespmem:v17+s20+$0x0] =	vst.idx.add.s32.msk vm3, v4  }
0x20c: {  	v10 =	vand.u32 $0x3FF, v10;
	v8 =	vand.u32 $0x3FF, v11;
	vm3 =	veq.s32 v9, v5;
	[tilespmem:v12+s20+$0x0] =	vst.idx.add.s32.msk vm0, v4  }
.Ltmp12:
0x20d: {  	v9 =	vand.u32 $0x3FF, v22;
	[tilespmem:v16+s20+$0x0] =	vst.idx.add.s32.msk vm7, v4;
	(pc) =	sbr.rel @p3 .LBB2_19-.Ltmp12, $4  }
0x20e: {  	[tilespmem:v18+s20+$0x0] =	vst.idx.add.s32.msk vm4, v4  }
0x20f: {  	[tilespmem:v23+s20+$0x0] =	vst.idx.add.s32.msk vm8, v4  }
0x210: {  	[tilespmem:v14+s20+$0x0] =	vst.idx.add.s32.msk vm5, v4  }
0x211: {  	[tilespmem:v24+s20+$0x0] =	vst.idx.add.s32.msk vm6, v4  }
0x212: {  	v5 =	vxor.u32 $0x80000000, v6  }
0x213: {  	(xrf0) =	vmax.scan.msk.u32 $0xffff, v5  }
0x214: {  	(xrf0) =	vadd.scan.msk.s32 $0xffff, v7;
	_ =	sdelay $0x3  }
0x215: {  	[tilespmem:v10+s20+$0x0] =	vst.idx.add.s32.msk vm1, v4  }
0x216: {  	[tilespmem:v8+s20+$0x0] =	vst.idx.add.s32.msk vm2, v4;
	v5, _, _ =	vpop (xrf0)  }
0x217: {  	[tilespmem:v9+s20+$0x0] =	vst.idx.add.s32.msk vm3, v4;
	s0 =	simm.s32 $0x0;
	(v2sf) =	vpush v5, $0xF;
	v5, _, _ =	vpop (xrf0)  }
0x218: {  	(v2sf) =	vpush v5, $0xF;
	v5 =	vld [tilespmem:s0+$0x12000];
	_ =	sdelay $0x4  }
0x219: {  	(xrf0) =	vadd.scan.msk.s32 $0xffff, v5;
	_ =	sdelay $0x5  }
0x21a: {  	s31 =	simm.s32 $0x0;
	v5, _, _ =	vpop (xrf0)  }
0x21b: {  	v6 =	vadd.s32 s31, v5  }
0x21c: {  	v5 =	vxor.u32 $0x80000000, v6  }
0x21d: {  	(xrf0) =	vmax.scan.msk.u32 $0xffff, v5;
	_ =	sdelay $0x1  }
0x21e: {  	s28 =	spop (v2sf)  }
0x21f: {  	s30 =	spop (v2sf)  }
0x220: {  	s26 =	ssub.s32 s26, s30  }
0x221: {  	p3 =	sgt.s32 s26, $0x1  }
0x222: {  	s31 =	sxor.u32 $0x80000000, s28;
	s26 =	simm.s32 @!p3 $0x1;
	v8, _, _ =	vpop (xrf0)  }
0x223: {  	s0 =	ssub.s32 s31, s26;
	(v2sf) =	vpush v8, $0xF  }
0x224: {  	v5 =	vmov s0  }
0x225: {  	vm0 =	vle.s32 v6, v5  }
0x226: {  	v6 =	vimm.s32 $0x0;
	v7 =	vsel vm0, $0x1, v1  }
0x227: {  	s29 =	simm.s32 $0x10;
	s28 =	simm.s32 $0x80;
	v6 =	vadd.s32 v7, v6  }
.LBB2_21:
0x228: {  	p3 =	sne.s32 s28, $0xFC0;
	v7 =	vld [tilespmem:s29+$0x12000];
	_ =	sdelay $0x4  }
0x229: {  	(xrf0) =	vadd.scan.msk.s32 $0xffff, v7;
	_ =	sdelay $0x4  }
0x22a: {  	s0 =	spop (v2sf)  }
0x22b: {  	v7, _, _ =	vpop (xrf0);
	s0 =	sxor.u32 $0x80000000, s0  }
0x22c: {  	v7 =	vadd.s32 s0, v7  }
0x22d: {  	vm0 =	vle.s32 v7, v5;
	v7 =	vxor.u32 $0x80000000, v7  }
0x22e: {  	v8 =	vsel vm0, $0x1, v1;
	(xrf0) =	vmax.scan.msk.u32 $0xffff, v7  }
0x22f: {  	v6 =	vadd.s32 v8, v6;
	_ =	sdelay $0x4  }
0x230: {  	v7, _, _ =	vpop (xrf0)  }
.Ltmp13:
0x231: {  	(v2sf) =	vpush v7, $0xF;
	(pc) =	sbr.rel @p3 .LBB2_21-.Ltmp13, $2  }
0x232: {  	_ =	sdelay $0x2  }
0x233: {  	s29 =	sshra.s32 s28, $0x2;
	s28 =	sadd.s32 $0x40, s28  }
0x234: {  	v7 =	vld [tilespmem:s29+$0x12000];
	_ =	sdelay $0x4  }
0x235: {  	(xrf0) =	vadd.scan.msk.s32 $0xffff, v7;
	_ =	sdelay $0x4  }
0x236: {  	s0 =	spop (v2sf)  }
0x237: {  	v7, _, _ =	vpop (xrf0);
	s0 =	sxor.u32 $0x80000000, s0  }
0x238: {  	v7 =	vadd.s32 s0, v7  }
0x239: {  	v8 =	vxor.u32 $0x80000000, v7  }
0x23a: {  	(xrf0) =	vmax.scan.msk.u32 $0xffff, v8;
	_ =	sdelay $0x5  }
0x23b: {  	vm0 =	vle.s32 v7, v5;
	v5, _, _ =	vpop (xrf0)  }
0x23c: {  	(v2sf) =	vpush v5, $0xF  }
0x23d: {  	v7 =	vsel vm0, $0x1, v1  }
0x23e: {  	v5 =	vadd.s32 v7, v6  }
0x23f: {  	(xrf0) =	vadd.scan.msk.s32 $0xffff, v5;
	_ =	sdelay $0x5  }
0x240: {  	v5, _, _ =	vpop (xrf0)  }
0x241: {  	s31 =	simm.s32 $0x12000;
	v6 =	vbroadcast v5, $0xF  }
0x242: {  	v9 =	vld [tilespmem:s31+$0x0];
	_ =	sdelay $0x1  }
0x243: {  	s28 =	simm.s32 $0x0  }
0x244: {  	v8 =	vor.u32 s28, v0  }
0x245: {  	vm15 =	vgt.s32 v8, v6;
	s28 =	spop (v2sf)  }
0x246: {  	s29 =	simm.s32 $0x10;
	s30 =	simm.s32 $0x20;
	v8 =	vimm.s32 $0x0;
	v9 =	vnsel vm15, $0x0, v9;
	v7 =	vld.idx.msk [tilespmem:v6+s31+$0x0], $0xffff;
	[tilespmem:s31+$0x0] =	vst v1;
	s28 =	simm.s32 $0x12010  }
.LBB2_23:
0x247: {  	p3 =	sne.s32 s30, $0x3F0;
	v10 =	vld [tilespmem:s28+$0x0];
	[tilespmem:s28+$0x0] =	vst v1;
	v8 =	vadd.s32 v8, v9;
	s0 =	smov.u32 s30;
	s30 =	sadd.s32 $0x10, s30  }
.Ltmp14:
0x248: {  	(pc) =	sbr.rel @p3 .LBB2_23-.Ltmp14, $4  }
0x249: {  	_ = 	snop  }
0x24a: {  	v9 =	vor.u32 s29, v0;
	s29 =	smov.u32 s0  }
0x24b: {  	vm0 =	vgt.s32 v9, v6  }
0x24c: {  	s28 =	sadd.s32 $0x10, s28;
	v9 =	vnsel vm0, $0x0, v10  }
0x24d: {  	v10 =	vld [tilespmem:s28+$0x0];
	_ =	sdelay $0x2  }
0x24e: {  	v11 =	vor.u32 s29, v0  }
0x24f: {  	vm0 =	vgt.s32 v11, v6  }
0x250: {  	v7 =	vxor.u32 $0x80000000, v7;
	v6 =	vadd.s32 v8, v9;
	v63 =	vnsel vm0, $0x0, v10  }
0x251: {  	(xrf0) =	vmax.scan.msk.u32 $0xffff, v7;
	v6 =	vadd.s32 v6, v63  }
0x252: {  	(xrf0) =	vadd.scan.msk.s32 $0xffff, v6;
	_ =	sdelay $0x4  }
0x253: {  	(v2sf) =	vpush v5, $0xF;
	v6, _, _ =	vpop (xrf0)  }
0x254: {  	(v2sf) =	vpush v6, $0xF;
	v5, _, _ =	vpop (xrf0)  }
0x255: {  	(v2sf) =	vpush v5, $0xF;
	_ =	sdelay $0xc  }
0x256: {  	s0 =	spop (v2sf)  }
0x257: {  	s31 =	spop (v2sf)  }
0x258: {  	s30 =	spop (v2sf)  }
0x259: {  	s26 =	ssub.s32 s26, s30  }
0x25a: {  	p3 =	sgt.s32 s26, $0x1  }
0x25b: {  	s29 =	sxor.u32 $0x80000000, s31;
	s26 =	simm.s32 @!p3 $0x1  }
0x25c: {  	p3 =	slt.s32 @!p0 s26, s29  }
0x25d: {  	p3 =	por p0, !p3  }
.Ltmp15:
0x25e: {  	_ = 	snop;
	(pc) =	sbr.rel @p3 .LBB2_25-.Ltmp15, $3  }
0x25f: {  	_ =	sdelay $0x1  }
0x260: {  	s25 =	sshll.u32 s25, $0xA  }
0x261: {  	[tilespmem:s28+$0x0] =	vst v1;
	s25 =	sadd.s32 s25, s0  }
0x262: {  	s0 =	simm.s32 $0x0  }
0x263: {  	v7 =	vld [tilespmem:s0+$0x0];
	_ =	sdelay $0x3  }
0x264: {  	v5 =	vmov s25  }
0x265: {  	vm0 =	veq.s32 v7, v5  }
0x266: {  	v8 =	vsel vm0, $0x1, v1  }
0x267: {  	(xrf0) =	vadd.scan.msk.s32 $0xffff, v8;
	_ =	sdelay $0x5  }
0x268: {  	s31 =	simm.s32 $0x0;
	v8, _, _ =	vpop (xrf0)  }
0x269: {  	v8 =	vadd.s32 s31, v8  }
0x26a: {  	v9 =	vxor.u32 $0x80000000, v8  }
0x26b: {  	(xrf0) =	vmax.scan.msk.u32 $0xffff, v9;
	_ =	sdelay $0x3  }
0x26c: {  	v6 =	vmov s26  }
0x26d: {  	vm1 =	vle.s32 v8, v6  }
0x26e: {  	vm2 =	vgt.s32 v7, v5;
	vm0 =	vmand vm0, vm1;
	v8, _, _ =	vpop (xrf0)  }
0x26f: {  	vm0 =	vmor vm2, vm0;
	(v2sf) =	vpush v8, $0xF  }
0x270: {  	v7 =	vsel vm0, $0x1, v1  }
0x271: {  	s25 =	simm.s32 $0x10;
	s26 =	simm.s32 $0x80;
	[tilespmem:s0+$0x8000] =	vst v7  }
.LBB2_29:
0x272: {  	p3 =	sne.s32 s26, $0x1FFC0;
	v7 =	vld [tilespmem:s25+$0x0];
	_ =	sdelay $0x4  }
0x273: {  	vm0 =	veq.s32 v7, v5;
	vm1 =	vgt.s32 v7, v5  }
0x274: {  	v7 =	vsel vm0, $0x1, v1  }
0x275: {  	(xrf0) =	vadd.scan.msk.s32 $0xffff, v7;
	_ =	sdelay $0x4  }
0x276: {  	s0 =	spop (v2sf)  }
0x277: {  	v7, _, _ =	vpop (xrf0);
	s0 =	sxor.u32 $0x80000000, s0  }
0x278: {  	v7 =	vadd.s32 s0, v7  }
0x279: {  	vm2 =	vle.s32 v7, v6;
	v7 =	vxor.u32 $0x80000000, v7  }
0x27a: {  	vm0 =	vmand vm0, vm2;
	(xrf0) =	vmax.scan.msk.u32 $0xffff, v7  }
0x27b: {  	vm0 =	vmor vm1, vm0  }
0x27c: {  	v7 =	vsel vm0, $0x1, v1  }
0x27d: {  	[tilespmem:s25+$0x8000] =	vst v7;
	_ =	sdelay $0x1  }
.Ltmp16:
0x27e: {  	(pc) =	sbr.rel @p3 .LBB2_29-.Ltmp16, $3  }
0x27f: {  	v7, _, _ =	vpop (xrf0)  }
0x280: {  	(v2sf) =	vpush v7, $0xF;
	_ =	sdelay $0x1  }
0x281: {  	s25 =	sshra.s32 s26, $0x2;
	s26 =	sadd.s32 $0x40, s26  }
0x282: {  	v7 =	vld [tilespmem:s25+$0x0];
	_ =	sdelay $0x4  }
0x283: {  	vm0 =	veq.s32 v7, v5  }
0x284: {  	v8 =	vsel vm0, $0x1, v1  }
0x285: {  	(xrf0) =	vadd.scan.msk.s32 $0xffff, v8;
	_ =	sdelay $0x4  }
0x286: {  	s0 =	spop (v2sf)  }
0x287: {  	v8, _, _ =	vpop (xrf0);
	s0 =	sxor.u32 $0x80000000, s0  }
0x288: {  	v8 =	vadd.s32 s0, v8  }
0x289: {  	v9 =	vxor.u32 $0x80000000, v8  }
0x28a: {  	(xrf0) =	vmax.scan.msk.u32 $0xffff, v9;
	_ =	sdelay $0x5  }
0x28b: {  	v9, _, _ =	vpop (xrf0)  }
0x28c: {  	(v2sf) =	vpush v9, $0xF;
	_ =	sdelay $0xa  }
.Ltmp17:
0x28d: {  	vm1 =	vle.s32 v8, v6;
	(pc) =	sbr.rel .LBB2_31-.Ltmp17, $4  }
0x28e: {  	vm2 =	vgt.s32 v7, v5;
	vm0 =	vmand vm0, vm1  }
0x28f: {  	vm0 =	vmor vm2, vm0  }
0x290: {  	v5 =	vsel vm0, $0x1, v1  }
0x291: {  	[tilespmem:s25+$0x8000] =	vst v5;
	s31 =	spop (v2sf)  }
.LBB2_25:
0x292: {  	s28 =	simm.s32 $0x80  }
0x293: {  	v6 =	vld [tilespmem:s28+$0x70]  }
0x294: {  	v7 =	vld [tilespmem:s28+$0xFFFFFF90]  }
0x295: {  	v8 =	vld [tilespmem:s28+$0xFFFFFFA0]  }
0x296: {  	s25 =	simm.s32 @!p1 $0x7FFFFFFF;
	v9 =	vld [tilespmem:s28+$0xFFFFFFB0]  }
0x297: {  	v5 =	vmov s25;
	v10 =	vld [tilespmem:s28+$0xFFFFFFC0]  }
0x298: {  	v11 =	vld [tilespmem:s28+$0xFFFFFFD0];
	vm0 =	vge.s32 v6, v5  }
0x299: {  	s25 =	simm.s32 $0x8080;
	vm1 =	vge.s32 v7, v5;
	v6 =	vld [tilespmem:s28+$0xFFFFFFE0];
	v7 =	vsel vm0, $0x1, v1  }
0x29a: {  	v12 =	vsel vm1, $0x1, v1;
	vm0 =	vge.s32 v8, v5;
	v8 =	vld [tilespmem:s28+$0xFFFFFFF0];
	[tilespmem:s25+$0x70] =	vst v7  }
0x29b: {  	[tilespmem:s25+$0xFFFFFF90] =	vst v12;
	v7 =	vsel vm0, $0x1, v1;
	vm0 =	vge.s32 v9, v5;
	v9 =	vld [tilespmem:s28+$0x0]  }
0x29c: {  	[tilespmem:s25+$0xFFFFFFA0] =	vst v7;
	v7 =	vsel vm0, $0x1, v1;
	vm0 =	vge.s32 v10, v5;
	v10 =	vld [tilespmem:s28+$0x10]  }
0x29d: {  	v63 =	vld [tilespmem:s28+$0x20];
	[tilespmem:s25+$0xFFFFFFB0] =	vst v7;
	v7 =	vsel vm0, $0x1, v1;
	vm0 =	vge.s32 v11, v5  }
0x29e: {  	[tilespmem:s25+$0xFFFFFFC0] =	vst v7;
	v7 =	vsel vm0, $0x1, v1;
	vm0 =	vge.s32 v6, v5;
	v6 =	vld [tilespmem:s28+$0x30]  }
0x29f: {  	[tilespmem:s25+$0xFFFFFFD0] =	vst v7;
	v11 =	vsel vm0, $0x1, v1;
	vm0 =	vge.s32 v8, v5;
	v7 =	vld [tilespmem:s28+$0x40]  }
0x2a0: {  	v8 =	vld [tilespmem:s28+$0x50];
	[tilespmem:s25+$0xFFFFFFE0] =	vst v11;
	v11 =	vsel vm0, $0x1, v1;
	vm0 =	vge.s32 v9, v5  }
0x2a1: {  	v9 =	vld [tilespmem:s28+$0x60];
	[tilespmem:s25+$0xFFFFFFF0] =	vst v11;
	v11 =	vsel vm0, $0x1, v1;
	vm0 =	vge.s32 v10, v5  }
0x2a2: {  	s26 =	simm.s32 $0x0;
	v10 =	vld [tilespmem:s28+$0xFFFFFF80];
	s28 =	simm.s32 $0x180;
	[tilespmem:s25+$0x0] =	vst v11;
	v11 =	vsel vm0, $0x1, v1;
	vm0 =	vge.s32 v63, v5  }
.LBB2_26:
0x2a3: {  	v12 =	vld [tilespmem:s28+$0x70];
	s26 =	sadd.s32 $0x10, s26;
	[tilespmem:s25+$0x10] =	vst v11;
	v11 =	vsel vm0, $0x1, v1;
	vm0 =	vge.s32 v6, v5  }
0x2a4: {  	v6 =	vld [tilespmem:s28+$0xFFFFFF90];
	p3 =	slt.u32 s26, $0x7F0;
	[tilespmem:s25+$0x20] =	vst v11;
	v11 =	vsel vm0, $0x1, v1;
	vm0 =	vge.s32 v7, v5  }
0x2a5: {  	v7 =	vld [tilespmem:s28+$0xFFFFFFA0];
	[tilespmem:s25+$0x30] =	vst v11;
	v11 =	vsel vm0, $0x1, v1;
	vm0 =	vge.s32 v8, v5  }
0x2a6: {  	v8 =	vld [tilespmem:s28+$0xFFFFFFB0];
	[tilespmem:s25+$0x40] =	vst v11;
	v11 =	vsel vm0, $0x1, v1;
	vm0 =	vge.s32 v9, v5  }
0x2a7: {  	v9 =	vld [tilespmem:s28+$0xFFFFFFC0];
	vm1 =	vge.s32 v10, v5;
	[tilespmem:s25+$0x50] =	vst v11;
	v10 =	vsel vm0, $0x1, v1  }
0x2a8: {  	v11 =	vld [tilespmem:s28+$0xFFFFFFD0];
	vm0 =	vge.s32 v12, v5;
	v12 =	vsel vm1, $0x1, v1;
	[tilespmem:s25+$0x60] =	vst v10  }
0x2a9: {  	vm1 =	vge.s32 v6, v5;
	v6 =	vld [tilespmem:s28+$0xFFFFFFE0];
	v10 =	vsel vm0, $0x1, v1;
	[tilespmem:s25+$0xFFFFFF80] =	vst v12;
	s25 =	sadd.s32 $0x100, s25  }
0x2aa: {  	v12 =	vsel vm1, $0x1, v1;
	vm0 =	vge.s32 v7, v5;
	v7 =	vld [tilespmem:s28+$0xFFFFFFF0];
	[tilespmem:s25+$0x70] =	vst v10  }
0x2ab: {  	[tilespmem:s25+$0xFFFFFF90] =	vst v12;
	v10 =	vsel vm0, $0x1, v1;
	vm0 =	vge.s32 v8, v5;
	v8 =	vld [tilespmem:s28+$0x0]  }
0x2ac: {  	[tilespmem:s25+$0xFFFFFFA0] =	vst v10;
	v10 =	vsel vm0, $0x1, v1;
	vm0 =	vge.s32 v9, v5;
	v9 =	vld [tilespmem:s28+$0x10]  }
0x2ad: {  	[tilespmem:s25+$0xFFFFFFB0] =	vst v10;
	v10 =	vsel vm0, $0x1, v1;
	vm0 =	vge.s32 v11, v5;
	v12 =	vld [tilespmem:s28+$0x20]  }
.Ltmp18:
0x2ae: {  	[tilespmem:s25+$0xFFFFFFC0] =	vst v10;
	v10 =	vsel vm0, $0x1, v1;
	vm0 =	vge.s32 v6, v5;
	v6 =	vld [tilespmem:s28+$0x30];
	(pc) =	sbr.rel @p3 .LBB2_26-.Ltmp18, $4  }
0x2af: {  	[tilespmem:s25+$0xFFFFFFD0] =	vst v10;
	v10 =	vsel vm0, $0x1, v1;
	vm0 =	vge.s32 v7, v5;
	v7 =	vld [tilespmem:s28+$0x40]  }
0x2b0: {  	[tilespmem:s25+$0xFFFFFFE0] =	vst v10;
	v10 =	vsel vm0, $0x1, v1;
	vm0 =	vge.s32 v8, v5;
	v8 =	vld [tilespmem:s28+$0x50]  }
0x2b1: {  	[tilespmem:s25+$0xFFFFFFF0] =	vst v10;
	v11 =	vsel vm0, $0x1, v1;
	vm0 =	vge.s32 v9, v5;
	v9 =	vld [tilespmem:s28+$0x60]  }
0x2b2: {  	v10 =	vld [tilespmem:s28+$0xFFFFFF80];
	[tilespmem:s25+$0x0] =	vst v11;
	v11 =	vsel vm0, $0x1, v1;
	vm0 =	vge.s32 v12, v5;
	s28 =	sadd.s32 $0x100, s28  }
0x2b3: {  	[tilespmem:s25+$0x10] =	vst v11;
	v63 =	vsel vm0, $0x1, v1;
	vm12 =	vge.s32 v6, v5  }
0x2b4: {  	[tilespmem:s25+$0x20] =	vst v63;
	v6 =	vsel vm12, $0x1, v1;
	vm13 =	vge.s32 v7, v5  }
.Ltmp19:
0x2b5: {  	[tilespmem:s25+$0x30] =	vst v6;
	v6 =	vsel vm13, $0x1, v1;
	vm14 =	vge.s32 v8, v5;
	(pc) =	sbr.rel .LBB2_31-.Ltmp19, $4  }
0x2b6: {  	[tilespmem:s25+$0x40] =	vst v6;
	v6 =	vsel vm14, $0x1, v1;
	vm15 =	vge.s32 v9, v5  }
0x2b7: {  	vm1 =	vge.s32 v10, v5;
	[tilespmem:s25+$0x50] =	vst v6;
	v5 =	vsel vm15, $0x1, v1  }
0x2b8: {  	v6 =	vsel vm1, $0x1, v1;
	[tilespmem:s25+$0x60] =	vst v5  }
0x2b9: {  	[tilespmem:s25+$0xFFFFFF80] =	vst v6  }
.LBB2_33:
0x2ba: {  	_ =	sfence.sel $0x180000  }
0x2bb: {  	[bflag:$0x0] =	sbarrier.arrive $0xFFFF  }
0x2bc: {  	_ =	strace $0x90000047  }
0x2bd: {  	[bflag:$0x2] =	sbarrier.arrive $0xFFFF  }
0x2be: {  	p0 =	sne.s32 s4, $0x0;
	s0 =	rddreg [dreg:$0x3]  }
0x2bf: {  	s0 =	sadd.s32 @!p0 $0x100000, s0  }
0x2c0: {  	[sflag:s0] =	ssyncadd.tile.s32 @!p0 $0x1;
	_ =	shalt  }
.Lfunc_end2:
_tile_overlayer_lowered:
.L_overlay_start_2:
0x2c1: {  	(tag) =	ssettag $0x2  }
0x2c2: {  	s0 =	rddreg [dreg:$0x0];
	s2 =	stileid.u32  }
0x2c3: {  	s1 =	rddreg [dreg:$0x1];
	p0 =	sne.s32 s2, $0x0  }
0x2c4: {  	s3 =	rddreg [dreg:$0x2];
	[bflag:$0x3] =	sbarrier.arrive $0xFFFF;
	s2 =	simm.s32 @!p0 $0x1C01  }
0x2c5: {  	[timem:s3], [sflag:s2] =	dma.local @!p0 [hbm:s0], s1  }
0x2c6: {  	s0 =	simm.s32 @!p0 $0x1  }
0x2c7: {  	_ =	swait.ge @!p0 [sflag:s0], s1  }
0x2c8: {  	s1 =	ssub.s32 @!p0 $0x0, s1;
	[sflag:s0] =	ssyncset.done @!p0 $0x0  }
0x2c9: {  	[sflag:s0] =	ssyncadd.s32 @!p0 s1  }
0x2ca: {  	[bflag:$0x3] =	sbarrier.arrive $0xFFFF  }
0x2cb: {  	_ =	shalt  }

</sc_bundles>
